<compile_context>
chip_gen: v7x
topology: tpu7x:2x2x1
jax: 0.10.2.dev20260603
libtpu: 0.0.44.dev20260713+nightly
codegen_flags: <defaults>
</compile_context>

<pallas_src>
import functools

import jax
import jax.numpy as jnp
from jax.experimental import pallas as pl
from jax.experimental.pallas import tpu as pltpu
from jax.experimental.pallas import tpu_sc as plsc

_B, _C, _N, _V, _T = 4, 512, 4096, 4, 64
_K = 64
_S = 256
_L = _S + _T
_TN = 1024
_NT = _N // _TN
_R = _B * _V
_H = 8
_DH = _C // _H


def _score_body(pf_ref, mask_ref, W1_ref, b1_ref, g_ref, bb_ref, W2_ref,
                idx_ref, pfT_ref, pw_ref, ob_ref):
    s = pl.program_id(0)
    W1 = W1_ref[...]

    neg = jnp.full((1, _C), -1e9, jnp.float32)
    h0 = jax.lax.dot_general(neg, W1, (((1,), (1,)), ((), ())),
                             preferred_element_type=jnp.float32) + b1_ref[...]
    mu0 = jnp.mean(h0, axis=-1, keepdims=True)
    var0 = jnp.mean((h0 - mu0) ** 2, axis=-1, keepdims=True)
    h0 = (h0 - mu0) / jnp.sqrt(var0 + 1e-5) * g_ref[...] + bb_ref[...]
    h0 = jnp.maximum(h0, 0.0)
    w0 = jax.nn.sigmoid(jax.lax.dot_general(
        W2_ref[...], h0, (((1,), (1,)), ((), ())),
        preferred_element_type=jnp.float32))

    for b in range(_B):
        x = pf_ref[b]
        xT = x.T
        xb = xT.astype(jnp.bfloat16)
        lo = jax.lax.bitcast_convert_type(
            xb[:, :_C // 2].astype(jnp.float32), jnp.uint32) >> 16
        hi = jax.lax.bitcast_convert_type(
            xb[:, _C // 2:].astype(jnp.float32), jnp.uint32) & jnp.uint32(0xFFFF0000)
        pfT_ref[b] = jax.lax.bitcast_convert_type(hi | lo, jnp.float32)
        h = jax.lax.dot_general(xT, W1, (((1,), (1,)), ((), ())),
                                preferred_element_type=jnp.float32)
        h = h + b1_ref[...]
        mu = jnp.mean(h, axis=-1, keepdims=True)
        var = jnp.mean((h - mu) ** 2, axis=-1, keepdims=True)
        h = (h - mu) / jnp.sqrt(var + 1e-5) * g_ref[...] + bb_ref[...]
        h = jnp.maximum(h, 0.0)
        logits = jax.lax.dot_general(W2_ref[...], h, (((1,), (1,)), ((), ())),
                                     preferred_element_type=jnp.float32)
        w_row = jax.nn.sigmoid(logits)
        sel = jnp.where(mask_ref[b] != 0, w_row, w0)
        pw_ref[pl.ds(_V * b, _V), pl.ds(s * _TN, _TN)] = sel

    @pl.when(s == _NT - 1)
    def _topk():
        lane_n = jax.lax.broadcasted_iota(jnp.int32, (_R, _N), 1)
        lane_k = jax.lax.broadcasted_iota(jnp.int32, (_R, _K), 1)

        def body(k, carry):
            pw = pw_ref[...]
            m = jnp.max(pw, axis=1, keepdims=True)
            am = jnp.min(jnp.where(pw == m, lane_n, jnp.int32(_N)),
                         axis=1, keepdims=True)
            ob_ref[...] = jnp.where(lane_k == k, am, ob_ref[...])
            pw_ref[...] = jnp.where(lane_n == am, -jnp.inf, pw)
            return carry

        jax.lax.fori_loop(0, _K, body, 0)
        row = jax.lax.broadcasted_iota(jnp.int32, (_R, _K), 0)
        idx_ref[...] = ob_ref[...] + (row // _V) * _N


def _score(pf, masks, W1, b1, ln_g, ln_b, W2):
    return pl.pallas_call(
        _score_body,
        grid=(_NT,),
        in_specs=[
            pl.BlockSpec((_B, _C, _TN), lambda i: (0, 0, i)),
            pl.BlockSpec((_B, _V, _TN), lambda i: (0, 0, i)),
            pl.BlockSpec((_C, _C), lambda i: (0, 0)),
            pl.BlockSpec((1, _C), lambda i: (0, 0)),
            pl.BlockSpec((1, _C), lambda i: (0, 0)),
            pl.BlockSpec((1, _C), lambda i: (0, 0)),
            pl.BlockSpec((1, _C), lambda i: (0, 0)),
        ],
        out_specs=[
            pl.BlockSpec((_R, _K), lambda i: (0, 0)),
            pl.BlockSpec((_B, _TN, _C // 2), lambda i: (0, i, 0)),
        ],
        out_shape=[
            jax.ShapeDtypeStruct((_R, _K), jnp.int32),
            jax.ShapeDtypeStruct((_B, _N, _C // 2), jnp.float32),
        ],
        scratch_shapes=[
            pltpu.VMEM((_R, _N), jnp.float32),
            pltpu.VMEM((_R, _K), jnp.int32),
        ],
    )(pf, masks, W1, b1.reshape(1, _C), ln_g.reshape(1, _C),
      ln_b.reshape(1, _C), W2)


_NC, _NS = 2, 16
_NW = _NC * _NS
_GPW = (_B * _S) // _NW


def _sc_gather(table, idx):
    mesh = plsc.VectorSubcoreMesh(core_axis_name="c", subcore_axis_name="s")

    @functools.partial(
        pl.kernel,
        mesh=mesh,
        out_type=jax.ShapeDtypeStruct((_B * _S, _C // 2), jnp.float32),
        scratch_types=[
            pltpu.VMEM((_GPW,), jnp.int32),
            pltpu.VMEM((_GPW, _C // 2), jnp.float32),
            pltpu.SemaphoreType.DMA,
        ],
    )
    def k(table_hbm, idx_hbm, out_hbm, idx_v, rows_v, sem):
        wid = jax.lax.axis_index("s") * _NC + jax.lax.axis_index("c")
        base = wid * _GPW
        pltpu.sync_copy(idx_hbm.at[pl.ds(base, _GPW)], idx_v)
        pltpu.async_copy(table_hbm.at[idx_v], rows_v, sem).wait()
        pltpu.sync_copy(rows_v, out_hbm.at[pl.ds(base, _GPW)])

    return k(table, idx)


def _attn_body(sp_ref, tf_ref, Wq_ref, bq_ref, Wk_ref, bk_ref, Wv_ref, bv_ref,
               Wo_ref, bo_ref, o_ref):
    bf = jnp.bfloat16
    bits = jax.lax.bitcast_convert_type(sp_ref[0], jnp.uint32)
    lo = jax.lax.bitcast_convert_type(bits << 16, jnp.float32)
    hi = jax.lax.bitcast_convert_type(bits & jnp.uint32(0xFFFF0000), jnp.float32)
    xs = jnp.concatenate([lo, hi], axis=1).astype(bf)
    x = jnp.concatenate([xs, tf_ref[0].astype(bf)], axis=0)
    dims = (((1,), (1,)), ((), ()))
    q = jax.lax.dot_general(x, Wq_ref[...], dims,
                            preferred_element_type=jnp.float32) + bq_ref[...]
    k = jax.lax.dot_general(x, Wk_ref[...], dims,
                            preferred_element_type=jnp.float32) + bk_ref[...]
    v = jax.lax.dot_general(x, Wv_ref[...], dims,
                            preferred_element_type=jnp.float32) + bv_ref[...]
    outs = []
    for h in range(_H):
        sl = slice(h * _DH, (h + 1) * _DH)
        qh, kh, vh = q[:, sl].astype(bf), k[:, sl].astype(bf), v[:, sl].astype(bf)
        s = jax.lax.dot_general(qh, kh, dims,
                                preferred_element_type=jnp.float32) / 8.0
        p = jax.nn.softmax(s, axis=-1).astype(bf)
        outs.append(jax.lax.dot_general(p, vh, (((1,), (0,)), ((), ())),
                                        preferred_element_type=jnp.float32))
    o = jnp.concatenate(outs, axis=1).astype(bf)
    o_ref[0] = jax.lax.dot_general(o, Wo_ref[...], dims,
                                   preferred_element_type=jnp.float32) + bo_ref[...]


def _attn(sp, tf, Wq, bq, Wk, bk, Wv, bv, Wo, bo):
    wspec = pl.BlockSpec((_C, _C), lambda b: (0, 0))
    bspec = pl.BlockSpec((1, _C), lambda b: (0, 0))
    return pl.pallas_call(
        _attn_body,
        grid=(_B,),
        in_specs=[pl.BlockSpec((1, _S, _C // 2), lambda b: (b, 0, 0)),
                  pl.BlockSpec((1, _T, _C), lambda b: (b, 0, 0)),
                  wspec, bspec, wspec, bspec, wspec, bspec, wspec, bspec],
        out_specs=pl.BlockSpec((1, _L, _C), lambda b: (b, 0, 0)),
        out_shape=jax.ShapeDtypeStruct((_B, _L, _C), jnp.float32),
    )(sp, tf, Wq.astype(jnp.bfloat16), bq.reshape(1, _C),
      Wk.astype(jnp.bfloat16), bk.reshape(1, _C),
      Wv.astype(jnp.bfloat16), bv.reshape(1, _C),
      Wo.astype(jnp.bfloat16), bo.reshape(1, _C))


def kernel(point_features, point_masks, t_feat, t_mask,
           W1, b1, ln_g, ln_b, W2, Wq, bq, Wk, bk, Wv, bv, Wo, bo):
    B, C, N = point_features.shape

    idx, pfT = _score(point_features, point_masks, W1, b1, ln_g, ln_b, W2)
    sampled = _sc_gather(pfT.reshape(B * N, C // 2), idx.reshape(_R * _K))
    out = _attn(sampled.reshape(B, _S, C // 2), t_feat,
                Wq, bq, Wk, bk, Wv, bv, Wo, bo)
    cmask = jnp.concatenate([jnp.ones((B, _S), dtype=bool), t_mask], axis=1)
    return (out, cmask)

# --- scband reference (transcript-rebuilt; emitter-appended) ---
"""Pipeline reference for scband-feature-sampler-42640435315179 (READ-ONLY COPY).

The authoritative reference and input builder live on the scoring server;
editing this copy changes nothing except your own understanding.
"""

import jax, jax.numpy as jnp
import numpy as np

N_SAMPLE = 256
EMB = 512
HEADS = 8


def setup_inputs(seed: int = 0) -> dict:
    key = jax.random.key(seed)
    ks = [jax.random.fold_in(key, i) for i in range(16)]
    B, C, N, V, T = 4, EMB, 4096, 4, 64
    s = 0.02
    inp = {}
    inp["point_features"] = jax.random.normal(ks[0], (B, C, N), dtype=jnp.float32)
    inp["point_masks"] = jax.random.randint(ks[1], (B, V, N), 0, 2).astype(jnp.float32)
    inp["t_feat"] = jax.random.normal(ks[2], (B, T, C), dtype=jnp.float32)
    inp["t_mask"] = jnp.ones((B, T), dtype=bool)
    inp["W1"] = jax.random.normal(ks[3], (C, C), dtype=jnp.float32) * s
    inp["b1"] = jnp.zeros((C,), dtype=jnp.float32)
    inp["ln_g"] = jnp.ones((C,), dtype=jnp.float32)
    inp["ln_b"] = jnp.zeros((C,), dtype=jnp.float32)
    inp["W2"] = jax.random.normal(ks[4], (1, C), dtype=jnp.float32) * s
    inp["Wq"] = jax.random.normal(ks[5], (C, C), dtype=jnp.float32) * s
    inp["bq"] = jnp.zeros((C,), dtype=jnp.float32)
    inp["Wk"] = jax.random.normal(ks[6], (C, C), dtype=jnp.float32) * s
    inp["bk"] = jnp.zeros((C,), dtype=jnp.float32)
    inp["Wv"] = jax.random.normal(ks[7], (C, C), dtype=jnp.float32) * s
    inp["bv"] = jnp.zeros((C,), dtype=jnp.float32)
    inp["Wo"] = jax.random.normal(ks[8], (C, C), dtype=jnp.float32) * s
    inp["bo"] = jnp.zeros((C,), dtype=jnp.float32)
    return inp


def _mha(x, mask, Wq, bq, Wk, bk, Wv, bv, Wo, bo, H):
    B, L, C = x.shape
    dh = C // H
    q = (x @ Wq.T + bq).reshape(B, L, H, dh).transpose(0, 2, 1, 3)
    k = (x @ Wk.T + bk).reshape(B, L, H, dh).transpose(0, 2, 1, 3)
    v = (x @ Wv.T + bv).reshape(B, L, H, dh).transpose(0, 2, 1, 3)
    scores = jnp.einsum("bhqd,bhkd->bhqk", q, k) / np.sqrt(dh)
    scores = jnp.where(mask[:, None, None, :], scores, -1e9)
    attn = jax.nn.softmax(scores, axis=-1)
    out = jnp.einsum("bhqk,bhkd->bhqd", attn, v).transpose(0, 2, 1, 3).reshape(B, L, C)
    return out @ Wo.T + bo


def reference(point_features, point_masks, t_feat, t_mask, W1, b1, ln_g, ln_b, W2, Wq, bq, Wk, bk, Wv, bv, Wo, bo):
    B, C, N = point_features.shape
    V = point_masks.shape[1]
    pf = jnp.transpose(point_features, (0, 2, 1))  # [B, N, C]
    masked = pf[:, None, :, :] * point_masks[:, :, :, None]  # [B, V, N, C]
    valid = jnp.broadcast_to(point_masks[:, :, :, None] != 0, (B, V, N, C))
    masked = jnp.where(valid, masked, -1e9)
    # MLP: Linear -> LayerNorm -> ReLU -> Linear(no bias) -> Sigmoid
    h = masked @ W1.T + b1
    mu = h.mean(axis=-1, keepdims=True)
    var = ((h - mu) ** 2).mean(axis=-1, keepdims=True)
    h = (h - mu) / jnp.sqrt(var + 1e-5) * ln_g + ln_b
    h = jax.nn.relu(h)
    point_weight = jax.nn.sigmoid(h @ W2.T)[..., 0]  # [B, V, N]
    k_per_view = N_SAMPLE // V
    # eval path: top-k sampling
    idx = jax.lax.top_k(point_weight, k_per_view)[1]  # [B, V, k]
    pfe = jnp.broadcast_to(pf[:, None, :, :], (B, V, N, C))
    sampled = jnp.take_along_axis(pfe, idx[..., None], axis=2)  # [B, V, k, C]
    sampled = sampled.reshape(B, V * k_per_view, C)
    combined = jnp.concatenate([sampled, t_feat], axis=1)
    combined_mask = jnp.concatenate([jnp.ones((B, N_SAMPLE), dtype=bool), t_mask], axis=1)
    out = _mha(combined, combined_mask, Wq, bq, Wk, bk, Wv, bv, Wo, bo, HEADS)
    return (out, combined_mask)

if __name__ == "__main__":
    import jax
    _d = setup_inputs()
    print(jax.jit(kernel)(*tuple(_d.values())))

</pallas_src>

<mosaic_0001>
#map = affine_map<(d0, d1) -> (0, 0)>
#map1 = affine_map<(d0, d1) -> (0)>
module attributes {stable_mosaic.version = 14 : i64} {
  func.func @k(%arg0: i32, %arg1: i32, %arg2: memref<16384x256xf32, #tpu.memory_space<hbm>>, %arg3: memref<1024xi32, #tpu.memory_space<hbm>>, %arg4: memref<1024x256xf32, #tpu.memory_space<hbm>>, %arg5: memref<32xi32, #tpu.memory_space<vmem>>, %arg6: memref<32x256xf32, #tpu.memory_space<vmem>>, %arg7: memref<!tpu.dma_semaphore, #tpu.memory_space<semaphore_mem>>) attributes {dimension_semantics = [#tpu.dimension_semantics<core_parallel>, #tpu.dimension_semantics<subcore_parallel>], iteration_bounds = array<i64: 2, 16>, scalar_prefetch = 0 : i64, scratch_operands = 3 : i64, tpu.core_type = #tpu.core_type<sc_vector_subcore>, window_params = [{transform_indices = #map}, {transform_indices = #map1}, {transform_indices = #map}]} {
    %mul3A = arith.constant 2 : i32
    %mul3A_0 = arith.muli %arg1, %mul3A : i32
    %add3A = arith.addi %mul3A_0, %arg0 : i32
    %mul3A_1 = arith.constant 32 : i32
    %mul3A_2 = arith.muli %add3A, %mul3A_1 : i32
    "tpu.region"() ({
      %run_scoped3A = tpu.sem_alloc : memref<!tpu.dma_semaphore, #tpu.memory_space<semaphore_mem>>
      %dma_start3A_7 = tpu.memref_slice %arg3[%mul3A_2] : memref<1024xi32, #tpu.memory_space<hbm>> -> memref<32xi32, #tpu.memory_space<hbm>>
      %dma_start3A_8 = tpu.memref_slice %arg3[%mul3A_2] : memref<1024xi32, #tpu.memory_space<hbm>> -> memref<32xi32, #tpu.memory_space<hbm>>
      tpu.enqueue_dma source(%dma_start3A_8 : memref<32xi32, #tpu.memory_space<hbm>>) target(%arg5 : memref<32xi32, #tpu.memory_space<vmem>>) target_semaphore(%run_scoped3A : memref<!tpu.dma_semaphore, #tpu.memory_space<semaphore_mem>>)
      %dma_wait3A_9 = tpu.memref_slice %arg3[%mul3A_2] : memref<1024xi32, #tpu.memory_space<hbm>> -> memref<32xi32, #tpu.memory_space<hbm>>
      %dma_wait3A_10 = tpu.memref_slice %arg3[%mul3A_2] : memref<1024xi32, #tpu.memory_space<hbm>> -> memref<32xi32, #tpu.memory_space<hbm>>
      tpu.wait_dma2 semaphore(%run_scoped3A : memref<!tpu.dma_semaphore, #tpu.memory_space<semaphore_mem>>) src(%dma_wait3A_10 : memref<32xi32, #tpu.memory_space<hbm>>) dst(%arg5 : memref<32xi32, #tpu.memory_space<vmem>>)
      tpu.yield
    }) : () -> ()
    %dma_start3A = arith.constant 0 : i32
    %dma_start3A_3 = arith.constant 0 : i32
    %dma_start3A_4 = tpu.memref_slice %arg2[%dma_start3A, %dma_start3A_3] : memref<16384x256xf32, #tpu.memory_space<hbm>> -> memref<16384x256xf32, #tpu.memory_space<hbm>>
    tpu.enqueue_indirect_dma source(%dma_start3A_4 : memref<16384x256xf32, #tpu.memory_space<hbm>>) target(%arg6 : memref<32x256xf32, #tpu.memory_space<vmem>>) offsets(%arg5 : memref<32xi32, #tpu.memory_space<vmem>>) semaphore(%arg7 : memref<!tpu.dma_semaphore, #tpu.memory_space<semaphore_mem>>)
    %dma_wait3A = arith.constant 0 : i32
    %dma_wait3A_5 = arith.constant 0 : i32
    %dma_wait3A_6 = tpu.memref_slice %arg2[%dma_wait3A, %dma_wait3A_5] : memref<16384x256xf32, #tpu.memory_space<hbm>> -> memref<16384x256xf32, #tpu.memory_space<hbm>>
    tpu.wait_indirect_dma semaphore(%arg7 : memref<!tpu.dma_semaphore, #tpu.memory_space<semaphore_mem>>) src(%dma_wait3A_6 : memref<16384x256xf32, #tpu.memory_space<hbm>>) dst(%arg6 : memref<32x256xf32, #tpu.memory_space<vmem>>)
    "tpu.region"() ({
      %run_scoped3A = tpu.sem_alloc : memref<!tpu.dma_semaphore, #tpu.memory_space<semaphore_mem>>
      %dma_start3A_7 = arith.constant 0 : i32
      %dma_start3A_8 = tpu.memref_slice %arg4[%mul3A_2, %dma_start3A_7] : memref<1024x256xf32, #tpu.memory_space<hbm>> -> memref<32x256xf32, #tpu.memory_space<hbm>>
      %dma_start3A_9 = arith.constant 0 : i32
      %dma_start3A_10 = tpu.memref_slice %arg4[%mul3A_2, %dma_start3A_9] : memref<1024x256xf32, #tpu.memory_space<hbm>> -> memref<32x256xf32, #tpu.memory_space<hbm>>
      tpu.enqueue_dma source(%arg6 : memref<32x256xf32, #tpu.memory_space<vmem>>) target(%dma_start3A_10 : memref<32x256xf32, #tpu.memory_space<hbm>>) target_semaphore(%run_scoped3A : memref<!tpu.dma_semaphore, #tpu.memory_space<semaphore_mem>>)
      %dma_wait3A_11 = arith.constant 0 : i32
      %dma_wait3A_12 = tpu.memref_slice %arg4[%mul3A_2, %dma_wait3A_11] : memref<1024x256xf32, #tpu.memory_space<hbm>> -> memref<32x256xf32, #tpu.memory_space<hbm>>
      %dma_wait3A_13 = arith.constant 0 : i32
      %dma_wait3A_14 = tpu.memref_slice %arg4[%mul3A_2, %dma_wait3A_13] : memref<1024x256xf32, #tpu.memory_space<hbm>> -> memref<32x256xf32, #tpu.memory_space<hbm>>
      tpu.wait_dma2 semaphore(%run_scoped3A : memref<!tpu.dma_semaphore, #tpu.memory_space<semaphore_mem>>) src(%arg6 : memref<32x256xf32, #tpu.memory_space<vmem>>) dst(%dma_wait3A_14 : memref<32x256xf32, #tpu.memory_space<hbm>>)
      tpu.yield
    }) : () -> ()
    return
  }
}

module attributes {stable_mosaic.version = 14 : i64} {
  func.func @_score_body(%arg0: i32, %arg1: memref<4x512x1024xf32, #tpu.memory_space<vmem>>, %arg2: memref<4x4x1024xf32, #tpu.memory_space<vmem>>, %arg3: memref<512x512xf32, #tpu.memory_space<vmem>>, %arg4: memref<1x512xf32, #tpu.memory_space<vmem>>, %arg5: memref<1x512xf32, #tpu.memory_space<vmem>>, %arg6: memref<1x512xf32, #tpu.memory_space<vmem>>, %arg7: memref<1x512xf32, #tpu.memory_space<vmem>>, %arg8: memref<16x64xi32, #tpu.memory_space<vmem>>, %arg9: memref<4x1024x256xf32, #tpu.memory_space<vmem>>, %arg10: memref<16x4096xf32, #tpu.memory_space<vmem>>, %arg11: memref<16x64xi32, #tpu.memory_space<vmem>>) attributes {dimension_semantics = [#tpu.dimension_semantics<arbitrary>], iteration_bounds = array<i64: 4>, scalar_prefetch = 0 : i64, scratch_operands = 2 : i64, tpu.core_type = #tpu.core_type<tc>, window_params = [{transform_indices = @transform_0, window_bounds = array<i64: 4, 512, 1024>}, {transform_indices = @transform_1, window_bounds = array<i64: 4, 4, 1024>}, {pipeline_mode = #tpu.pipeline_mode<synchronous>, transform_indices = @transform_2, window_bounds = array<i64: 512, 512>}, {pipeline_mode = #tpu.pipeline_mode<synchronous>, transform_indices = @transform_3, window_bounds = array<i64: 1, 512>}, {pipeline_mode = #tpu.pipeline_mode<synchronous>, transform_indices = @transform_4, window_bounds = array<i64: 1, 512>}, {pipeline_mode = #tpu.pipeline_mode<synchronous>, transform_indices = @transform_5, window_bounds = array<i64: 1, 512>}, {pipeline_mode = #tpu.pipeline_mode<synchronous>, transform_indices = @transform_6, window_bounds = array<i64: 1, 512>}, {pipeline_mode = #tpu.pipeline_mode<synchronous>, transform_indices = @transform_7, window_bounds = array<i64: 16, 64>}, {transform_indices = @transform_8, window_bounds = array<i64: 4, 1024, 256>}]} {
    %get3A = arith.constant 0 : index
    %get3A_0 = arith.constant 0 : index
    %get3A_1 = vector.load %arg3[%get3A, %get3A_0] : memref<512x512xf32, #tpu.memory_space<vmem>>, vector<512x512xf32>
    %broadcast_in_dim3A = arith.constant -1.000000e+09 : f32
    %broadcast_in_dim3A_2 = vector.broadcast %broadcast_in_dim3A : f32 to vector<1x512xf32>
    %dot_general3A = arith.constant dense<0.000000e+00> : vector<1x512xf32>
    %dot_general3A_3 = tpu.matmul %broadcast_in_dim3A_2, %get3A_1, %dot_general3A {dimension_numbers = #tpu.dot_dimension_numbers<[1], [1], [0], [0], [0, 0, 1, 0], [], []>, transpose_lhs_hint = false} : vector<1x512xf32>, vector<512x512xf32>, vector<1x512xf32> -> vector<1x512xf32>
    %get3A_4 = arith.constant 0 : index
    %get3A_5 = arith.constant 0 : index
    %get3A_6 = vector.load %arg4[%get3A_4, %get3A_5] : memref<1x512xf32, #tpu.memory_space<vmem>>, vector<1x512xf32>
    %add3A = arith.addf %dot_general3A_3, %get3A_6 : vector<1x512xf32>
    %reduce_sum3A = arith.constant dense<0.000000e+00> : vector<1xf32>
    %reduce_sum3A_7 = vector.multi_reduction <add>, %add3A, %reduce_sum3A [1] : vector<1x512xf32> to vector<1xf32>
    %broadcast_in_dim3A_8 = vector.shape_cast %reduce_sum3A_7 : vector<1xf32> to vector<1x1xf32>
    %div3A = arith.constant 5.120000e+02 : f32
    %div3A_9 = vector.broadcast %div3A : f32 to vector<1x1xf32>
    %div3A_10 = arith.divf %broadcast_in_dim3A_8, %div3A_9 : vector<1x1xf32>
    %sub3A = vector.broadcast %div3A_10 : vector<1x1xf32> to vector<1x512xf32>
    %sub3A_11 = arith.subf %add3A, %sub3A : vector<1x512xf32>
    %integer_pow3A = arith.mulf %sub3A_11, %sub3A_11 : vector<1x512xf32>
    %reduce_sum3A_12 = arith.constant dense<0.000000e+00> : vector<1xf32>
    %reduce_sum3A_13 = vector.multi_reduction <add>, %integer_pow3A, %reduce_sum3A_12 [1] : vector<1x512xf32> to vector<1xf32>
    %broadcast_in_dim3A_14 = vector.shape_cast %reduce_sum3A_13 : vector<1xf32> to vector<1x1xf32>
    %div3A_15 = arith.constant 5.120000e+02 : f32
    %div3A_16 = vector.broadcast %div3A_15 : f32 to vector<1x1xf32>
    %div3A_17 = arith.divf %broadcast_in_dim3A_14, %div3A_16 : vector<1x1xf32>
    %sub3A_18 = vector.broadcast %div3A_10 : vector<1x1xf32> to vector<1x512xf32>
    %sub3A_19 = arith.subf %add3A, %sub3A_18 : vector<1x512xf32>
    %add3A_20 = arith.constant 9.99999974E-6 : f32
    %add3A_21 = vector.broadcast %add3A_20 : f32 to vector<1x1xf32>
    %add3A_22 = arith.addf %div3A_17, %add3A_21 : vector<1x1xf32>
    %sqrt3A = math.sqrt %add3A_22 : vector<1x1xf32>
    %div3A_23 = vector.broadcast %sqrt3A : vector<1x1xf32> to vector<1x512xf32>
    %div3A_24 = arith.divf %sub3A_19, %div3A_23 : vector<1x512xf32>
    %get3A_25 = arith.constant 0 : index
    %get3A_26 = arith.constant 0 : index
    %get3A_27 = vector.load %arg5[%get3A_25, %get3A_26] : memref<1x512xf32, #tpu.memory_space<vmem>>, vector<1x512xf32>
    %mul3A = arith.mulf %div3A_24, %get3A_27 : vector<1x512xf32>
    %get3A_28 = arith.constant 0 : index
    %get3A_29 = arith.constant 0 : index
    %get3A_30 = vector.load %arg6[%get3A_28, %get3A_29] : memref<1x512xf32, #tpu.memory_space<vmem>>, vector<1x512xf32>
    %add3A_31 = arith.addf %mul3A, %get3A_30 : vector<1x512xf32>
    %max3A = arith.constant 0.000000e+00 : f32
    %max3A_32 = vector.broadcast %max3A : f32 to vector<1x512xf32>
    %max3A_33 = arith.maximumf %add3A_31, %max3A_32 : vector<1x512xf32>
    %get3A_34 = arith.constant 0 : index
    %get3A_35 = arith.constant 0 : index
    %get3A_36 = vector.load %arg7[%get3A_34, %get3A_35] : memref<1x512xf32, #tpu.memory_space<vmem>>, vector<1x512xf32>
    %dot_general3A_37 = arith.constant dense<0.000000e+00> : vector<1x1xf32>
    %dot_general3A_38 = tpu.matmul %get3A_36, %max3A_33, %dot_general3A_37 {dimension_numbers = #tpu.dot_dimension_numbers<[1], [1], [0], [0], [0, 0, 1, 0], [], []>, transpose_lhs_hint = false} : vector<1x512xf32>, vector<1x512xf32>, vector<1x1xf32> -> vector<1x1xf32>
    %logistic3A = arith.negf %dot_general3A_38 : vector<1x1xf32>
    %logistic3A_39 = math.exp %logistic3A : vector<1x1xf32>
    %logistic3A_40 = arith.constant 1.000000e+00 : f32
    %logistic3A_41 = vector.broadcast %logistic3A_40 : f32 to vector<1x1xf32>
    %logistic3A_42 = arith.addf %logistic3A_41, %logistic3A_39 : vector<1x1xf32>
    %logistic3A_43 = arith.divf %logistic3A_41, %logistic3A_42 : vector<1x1xf32>
    %get3A_44 = arith.constant 0 : index
    %get3A_45 = arith.constant 0 : index
    %get3A_46 = arith.constant 0 : index
    %get3A_47 = vector.load %arg1[%get3A_44, %get3A_45, %get3A_46] : memref<4x512x1024xf32, #tpu.memory_space<vmem>>, vector<1x512x1024xf32>
    %get3A_48 = vector.shape_cast %get3A_47 : vector<1x512x1024xf32> to vector<512x1024xf32>
    %transpose3A = tpu.transpose %get3A_48, [1, 0] : vector<512x1024xf32> -> vector<1024x512xf32>
    %convert_element_type3A = arith.truncf %transpose3A : vector<1024x512xf32> to vector<1024x512xbf16>
    %slice3A = vector.extract_strided_slice %convert_element_type3A {offsets = [0, 0], sizes = [1024, 256], strides = [1, 1]} : vector<1024x512xbf16> to vector<1024x256xbf16>
    %convert_element_type3A_49 = arith.extf %slice3A : vector<1024x256xbf16> to vector<1024x256xf32>
    %bitcast_convert_type3A = tpu.bitcast %convert_element_type3A_49 : vector<1024x256xf32> -> vector<1024x256xi32>
    %shift_right_logical3A = arith.constant 16 : i32
    %shift_right_logical3A_50 = vector.broadcast %shift_right_logical3A : i32 to vector<1024x256xi32>
    %shift_right_logical3A_51 = arith.shrui %bitcast_convert_type3A, %shift_right_logical3A_50 : vector<1024x256xi32>
    %slice3A_52 = vector.extract_strided_slice %convert_element_type3A {offsets = [0, 256], sizes = [1024, 256], strides = [1, 1]} : vector<1024x512xbf16> to vector<1024x256xbf16>
    %convert_element_type3A_53 = arith.extf %slice3A_52 : vector<1024x256xbf16> to vector<1024x256xf32>
    %bitcast_convert_type3A_54 = tpu.bitcast %convert_element_type3A_53 : vector<1024x256xf32> -> vector<1024x256xi32>
    %and3A = arith.constant -65536 : i32
    %and3A_55 = vector.broadcast %and3A : i32 to vector<1024x256xi32>
    %and3A_56 = arith.andi %bitcast_convert_type3A_54, %and3A_55 : vector<1024x256xi32>
    %or3A = arith.ori %and3A_56, %shift_right_logical3A_51 : vector<1024x256xi32>
    %bitcast_convert_type3A_57 = tpu.bitcast %or3A : vector<1024x256xi32> -> vector<1024x256xf32>
    %swap3A = arith.constant 0 : index
    %swap3A_58 = arith.constant 0 : index
    %swap3A_59 = arith.constant 0 : index
    %swap3A_60 = vector.load %arg9[%swap3A, %swap3A_58, %swap3A_59] : memref<4x1024x256xf32, #tpu.memory_space<vmem>>, vector<1x1024x256xf32>
    %swap3A_61 = vector.shape_cast %swap3A_60 : vector<1x1024x256xf32> to vector<1024x256xf32>
    %swap3A_62 = vector.shape_cast %bitcast_convert_type3A_57 : vector<1024x256xf32> to vector<1x1024x256xf32>
    tpu.vector_store %arg9[%swap3A, %swap3A_58, %swap3A_59], %swap3A_62 {strides = array<i32>} : memref<4x1024x256xf32, #tpu.memory_space<vmem>>, vector<1x1024x256xf32>,
    %dot_general3A_63 = arith.constant dense<0.000000e+00> : vector<1024x512xf32>
    %dot_general3A_64 = tpu.matmul %transpose3A, %get3A_1, %dot_general3A_63 {dimension_numbers = #tpu.dot_dimension_numbers<[1], [1], [0], [0], [0, 0, 1, 0], [], []>, transpose_lhs_hint = false} : vector<1024x512xf32>, vector<512x512xf32>, vector<1024x512xf32> -> vector<1024x512xf32>
    %get3A_65 = arith.constant 0 : index
    %get3A_66 = arith.constant 0 : index
    %get3A_67 = vector.load %arg4[%get3A_65, %get3A_66] : memref<1x512xf32, #tpu.memory_space<vmem>>, vector<1x512xf32>
    %add3A_68 = vector.broadcast %get3A_67 : vector<1x512xf32> to vector<1024x512xf32>
    %add3A_69 = arith.addf %dot_general3A_64, %add3A_68 : vector<1024x512xf32>
    %reduce_sum3A_70 = arith.constant dense<0.000000e+00> : vector<1024xf32>
    %reduce_sum3A_71 = vector.multi_reduction <add>, %add3A_69, %reduce_sum3A_70 [1] : vector<1024x512xf32> to vector<1024xf32>
    %broadcast_in_dim3A_72 = vector.shape_cast %reduce_sum3A_71 : vector<1024xf32> to vector<1024x1xf32>
    %div3A_73 = arith.constant 5.120000e+02 : f32
    %div3A_74 = vector.broadcast %div3A_73 : f32 to vector<1024x1xf32>
    %div3A_75 = arith.divf %broadcast_in_dim3A_72, %div3A_74 : vector<1024x1xf32>
    %sub3A_76 = vector.broadcast %div3A_75 : vector<1024x1xf32> to vector<1024x512xf32>
    %sub3A_77 = arith.subf %add3A_69, %sub3A_76 : vector<1024x512xf32>
    %integer_pow3A_78 = arith.mulf %sub3A_77, %sub3A_77 : vector<1024x512xf32>
    %reduce_sum3A_79 = arith.constant dense<0.000000e+00> : vector<1024xf32>
    %reduce_sum3A_80 = vector.multi_reduction <add>, %integer_pow3A_78, %reduce_sum3A_79 [1] : vector<1024x512xf32> to vector<1024xf32>
    %broadcast_in_dim3A_81 = vector.shape_cast %reduce_sum3A_80 : vector<1024xf32> to vector<1024x1xf32>
    %div3A_82 = arith.constant 5.120000e+02 : f32
    %div3A_83 = vector.broadcast %div3A_82 : f32 to vector<1024x1xf32>
    %div3A_84 = arith.divf %broadcast_in_dim3A_81, %div3A_83 : vector<1024x1xf32>
    %sub3A_85 = vector.broadcast %div3A_75 : vector<1024x1xf32> to vector<1024x512xf32>
    %sub3A_86 = arith.subf %add3A_69, %sub3A_85 : vector<1024x512xf32>
    %add3A_87 = arith.constant 9.99999974E-6 : f32
    %add3A_88 = vector.broadcast %add3A_87 : f32 to vector<1024x1xf32>
    %add3A_89 = arith.addf %div3A_84, %add3A_88 : vector<1024x1xf32>
    %sqrt3A_90 = math.sqrt %add3A_89 : vector<1024x1xf32>
    %div3A_91 = vector.broadcast %sqrt3A_90 : vector<1024x1xf32> to vector<1024x512xf32>
    %div3A_92 = arith.divf %sub3A_86, %div3A_91 : vector<1024x512xf32>
    %get3A_93 = arith.constant 0 : index
    %get3A_94 = arith.constant 0 : index
    %get3A_95 = vector.load %arg5[%get3A_93, %get3A_94] : memref<1x512xf32, #tpu.memory_space<vmem>>, vector<1x512xf32>
    %mul3A_96 = vector.broadcast %get3A_95 : vector<1x512xf32> to vector<1024x512xf32>
    %mul3A_97 = arith.mulf %div3A_92, %mul3A_96 : vector<1024x512xf32>
    %get3A_98 = arith.constant 0 : index
    %get3A_99 = arith.constant 0 : index
    %get3A_100 = vector.load %arg6[%get3A_98, %get3A_99] : memref<1x512xf32, #tpu.memory_space<vmem>>, vector<1x512xf32>
    %add3A_101 = vector.broadcast %get3A_100 : vector<1x512xf32> to vector<1024x512xf32>
    %add3A_102 = arith.addf %mul3A_97, %add3A_101 : vector<1024x512xf32>
    %max3A_103 = arith.constant 0.000000e+00 : f32
    %max3A_104 = vector.broadcast %max3A_103 : f32 to vector<1024x512xf32>
    %max3A_105 = arith.maximumf %add3A_102, %max3A_104 : vector<1024x512xf32>
    %get3A_106 = arith.constant 0 : index
    %get3A_107 = arith.constant 0 : index
    %get3A_108 = vector.load %arg7[%get3A_106, %get3A_107] : memref<1x512xf32, #tpu.memory_space<vmem>>, vector<1x512xf32>
    %dot_general3A_109 = arith.constant dense<0.000000e+00> : vector<1x1024xf32>
    %dot_general3A_110 = tpu.matmul %get3A_108, %max3A_105, %dot_general3A_109 {dimension_numbers = #tpu.dot_dimension_numbers<[1], [1], [0], [0], [0, 0, 1, 0], [], []>, transpose_lhs_hint = false} : vector<1x512xf32>, vector<1024x512xf32>, vector<1x1024xf32> -> vector<1x1024xf32>
    %logistic3A_111 = arith.negf %dot_general3A_110 : vector<1x1024xf32>
    %logistic3A_112 = math.exp %logistic3A_111 : vector<1x1024xf32>
    %logistic3A_113 = arith.constant 1.000000e+00 : f32
    %logistic3A_114 = vector.broadcast %logistic3A_113 : f32 to vector<1x1024xf32>
    %logistic3A_115 = arith.addf %logistic3A_114, %logistic3A_112 : vector<1x1024xf32>
    %logistic3A_116 = arith.divf %logistic3A_114, %logistic3A_115 : vector<1x1024xf32>
    %get3A_117 = arith.constant 0 : index
    %get3A_118 = arith.constant 0 : index
    %get3A_119 = arith.constant 0 : index
    %get3A_120 = vector.load %arg2[%get3A_117, %get3A_118, %get3A_119] : memref<4x4x1024xf32, #tpu.memory_space<vmem>>, vector<1x4x1024xf32>
    %get3A_121 = vector.shape_cast %get3A_120 : vector<1x4x1024xf32> to vector<4x1024xf32>
    %ne3A = arith.constant 0.000000e+00 : f32
    %ne3A_122 = vector.broadcast %ne3A : f32 to vector<4x1024xf32>
    %ne3A_123 = arith.cmpf one, %get3A_121, %ne3A_122 : vector<4x1024xf32>
    %broadcast_in_dim3A_124 = vector.shape_cast %logistic3A_116 : vector<1x1024xf32> to vector<1x1024xf32>
    %broadcast_in_dim3A_125 = vector.broadcast %broadcast_in_dim3A_124 : vector<1x1024xf32> to vector<4x1024xf32>
    %broadcast_in_dim3A_126 = vector.shape_cast %logistic3A_43 : vector<1x1xf32> to vector<1x1xf32>
    %broadcast_in_dim3A_127 = vector.broadcast %broadcast_in_dim3A_126 : vector<1x1xf32> to vector<4x1024xf32>
    %select_n3A = arith.select %ne3A_123, %broadcast_in_dim3A_125, %broadcast_in_dim3A_127 : vector<4x1024xi1>, vector<4x1024xf32>
    %mul3A_128 = arith.constant 1024 : i32
    %mul3A_129 = arith.muli %arg0, %mul3A_128 : i32
    %swap3A_130 = arith.constant 0 : index
    %swap3A_131 = arith.index_cast %mul3A_129 : i32 to index
    %swap3A_132 = vector.load %arg10[%swap3A_130, %swap3A_131] : memref<16x4096xf32, #tpu.memory_space<vmem>>, vector<4x1024xf32>
    tpu.vector_store %arg10[%swap3A_130, %swap3A_131], %select_n3A {strides = array<i32>} : memref<16x4096xf32, #tpu.memory_space<vmem>>, vector<4x1024xf32>,
    %get3A_133 = arith.constant 1 : index
    %get3A_134 = arith.constant 0 : index
    %get3A_135 = arith.constant 0 : index
    %get3A_136 = vector.load %arg1[%get3A_133, %get3A_134, %get3A_135] : memref<4x512x1024xf32, #tpu.memory_space<vmem>>, vector<1x512x1024xf32>
    %get3A_137 = vector.shape_cast %get3A_136 : vector<1x512x1024xf32> to vector<512x1024xf32>
    %transpose3A_138 = tpu.transpose %get3A_137, [1, 0] : vector<512x1024xf32> -> vector<1024x512xf32>
    %convert_element_type3A_139 = arith.truncf %transpose3A_138 : vector<1024x512xf32> to vector<1024x512xbf16>
    %slice3A_140 = vector.extract_strided_slice %convert_element_type3A_139 {offsets = [0, 0], sizes = [1024, 256], strides = [1, 1]} : vector<1024x512xbf16> to vector<1024x256xbf16>
    %convert_element_type3A_141 = arith.extf %slice3A_140 : vector<1024x256xbf16> to vector<1024x256xf32>
    %bitcast_convert_type3A_142 = tpu.bitcast %convert_element_type3A_141 : vector<1024x256xf32> -> vector<1024x256xi32>
    %shift_right_logical3A_143 = arith.constant 16 : i32
    %shift_right_logical3A_144 = vector.broadcast %shift_right_logical3A_143 : i32 to vector<1024x256xi32>
    %shift_right_logical3A_145 = arith.shrui %bitcast_convert_type3A_142, %shift_right_logical3A_144 : vector<1024x256xi32>
    %slice3A_146 = vector.extract_strided_slice %convert_element_type3A_139 {offsets = [0, 256], sizes = [1024, 256], strides = [1, 1]} : vector<1024x512xbf16> to vector<1024x256xbf16>
    %convert_element_type3A_147 = arith.extf %slice3A_146 : vector<1024x256xbf16> to vector<1024x256xf32>
    %bitcast_convert_type3A_148 = tpu.bitcast %convert_element_type3A_147 : vector<1024x256xf32> -> vector<1024x256xi32>
    %and3A_149 = arith.constant -65536 : i32
    %and3A_150 = vector.broadcast %and3A_149 : i32 to vector<1024x256xi32>
    %and3A_151 = arith.andi %bitcast_convert_type3A_148, %and3A_150 : vector<1024x256xi32>
    %or3A_152 = arith.ori %and3A_151, %shift_right_logical3A_145 : vector<1024x256xi32>
    %bitcast_convert_type3A_153 = tpu.bitcast %or3A_152 : vector<1024x256xi32> -> vector<1024x256xf32>
    %swap3A_154 = arith.constant 1 : index
    %swap3A_155 = arith.constant 0 : index
    %swap3A_156 = arith.constant 0 : index
    %swap3A_157 = vector.load %arg9[%swap3A_154, %swap3A_155, %swap3A_156] : memref<4x1024x256xf32, #tpu.memory_space<vmem>>, vector<1x1024x256xf32>
    %swap3A_158 = vector.shape_cast %swap3A_157 : vector<1x1024x256xf32> to vector<1024x256xf32>
    %swap3A_159 = vector.shape_cast %bitcast_convert_type3A_153 : vector<1024x256xf32> to vector<1x1024x256xf32>
    tpu.vector_store %arg9[%swap3A_154, %swap3A_155, %swap3A_156], %swap3A_159 {strides = array<i32>} : memref<4x1024x256xf32, #tpu.memory_space<vmem>>, vector<1x1024x256xf32>,
    %dot_general3A_160 = arith.constant dense<0.000000e+00> : vector<1024x512xf32>
    %dot_general3A_161 = tpu.matmul %transpose3A_138, %get3A_1, %dot_general3A_160 {dimension_numbers = #tpu.dot_dimension_numbers<[1], [1], [0], [0], [0, 0, 1, 0], [], []>, transpose_lhs_hint = false} : vector<1024x512xf32>, vector<512x512xf32>, vector<1024x512xf32> -> vector<1024x512xf32>
    %get3A_162 = arith.constant 0 : index
    %get3A_163 = arith.constant 0 : index
    %get3A_164 = vector.load %arg4[%get3A_162, %get3A_163] : memref<1x512xf32, #tpu.memory_space<vmem>>, vector<1x512xf32>
    %add3A_165 = vector.broadcast %get3A_164 : vector<1x512xf32> to vector<1024x512xf32>
    %add3A_166 = arith.addf %dot_general3A_161, %add3A_165 : vector<1024x512xf32>
    %reduce_sum3A_167 = arith.constant dense<0.000000e+00> : vector<1024xf32>
    %reduce_sum3A_168 = vector.multi_reduction <add>, %add3A_166, %reduce_sum3A_167 [1] : vector<1024x512xf32> to vector<1024xf32>
    %broadcast_in_dim3A_169 = vector.shape_cast %reduce_sum3A_168 : vector<1024xf32> to vector<1024x1xf32>
    %div3A_170 = arith.constant 5.120000e+02 : f32
    %div3A_171 = vector.broadcast %div3A_170 : f32 to vector<1024x1xf32>
    %div3A_172 = arith.divf %broadcast_in_dim3A_169, %div3A_171 : vector<1024x1xf32>
    %sub3A_173 = vector.broadcast %div3A_172 : vector<1024x1xf32> to vector<1024x512xf32>
    %sub3A_174 = arith.subf %add3A_166, %sub3A_173 : vector<1024x512xf32>
    %integer_pow3A_175 = arith.mulf %sub3A_174, %sub3A_174 : vector<1024x512xf32>
    %reduce_sum3A_176 = arith.constant dense<0.000000e+00> : vector<1024xf32>
    %reduce_sum3A_177 = vector.multi_reduction <add>, %integer_pow3A_175, %reduce_sum3A_176 [1] : vector<1024x512xf32> to vector<1024xf32>
    %broadcast_in_dim3A_178 = vector.shape_cast %reduce_sum3A_177 : vector<1024xf32> to vector<1024x1xf32>
    %div3A_179 = arith.constant 5.120000e+02 : f32
    %div3A_180 = vector.broadcast %div3A_179 : f32 to vector<1024x1xf32>
    %div3A_181 = arith.divf %broadcast_in_dim3A_178, %div3A_180 : vector<1024x1xf32>
    %sub3A_182 = vector.broadcast %div3A_172 : vector<1024x1xf32> to vector<1024x512xf32>
    %sub3A_183 = arith.subf %add3A_166, %sub3A_182 : vector<1024x512xf32>
    %add3A_184 = arith.constant 9.99999974E-6 : f32
    %add3A_185 = vector.broadcast %add3A_184 : f32 to vector<1024x1xf32>
    %add3A_186 = arith.addf %div3A_181, %add3A_185 : vector<1024x1xf32>
    %sqrt3A_187 = math.sqrt %add3A_186 : vector<1024x1xf32>
    %div3A_188 = vector.broadcast %sqrt3A_187 : vector<1024x1xf32> to vector<1024x512xf32>
    %div3A_189 = arith.divf %sub3A_183, %div3A_188 : vector<1024x512xf32>
    %get3A_190 = arith.constant 0 : index
    %get3A_191 = arith.constant 0 : index
    %get3A_192 = vector.load %arg5[%get3A_190, %get3A_191] : memref<1x512xf32, #tpu.memory_space<vmem>>, vector<1x512xf32>
    %mul3A_193 = vector.broadcast %get3A_192 : vector<1x512xf32> to vector<1024x512xf32>
    %mul3A_194 = arith.mulf %div3A_189, %mul3A_193 : vector<1024x512xf32>
    %get3A_195 = arith.constant 0 : index
    %get3A_196 = arith.constant 0 : index
    %get3A_197 = vector.load %arg6[%get3A_195, %get3A_196] : memref<1x512xf32, #tpu.memory_space<vmem>>, vector<1x512xf32>
    %add3A_198 = vector.broadcast %get3A_197 : vector<1x512xf32> to vector<1024x512xf32>
    %add3A_199 = arith.addf %mul3A_194, %add3A_198 : vector<1024x512xf32>
    %max3A_200 = arith.constant 0.000000e+00 : f32
    %max3A_201 = vector.broadcast %max3A_200 : f32 to vector<1024x512xf32>
    %max3A_202 = arith.maximumf %add3A_199, %max3A_201 : vector<1024x512xf32>
    %get3A_203 = arith.constant 0 : index
    %get3A_204 = arith.constant 0 : index
    %get3A_205 = vector.load %arg7[%get3A_203, %get3A_204] : memref<1x512xf32, #tpu.memory_space<vmem>>, vector<1x512xf32>
    %dot_general3A_206 = arith.constant dense<0.000000e+00> : vector<1x1024xf32>
    %dot_general3A_207 = tpu.matmul %get3A_205, %max3A_202, %dot_general3A_206 {dimension_numbers = #tpu.dot_dimension_numbers<[1], [1], [0], [0], [0, 0, 1, 0], [], []>, transpose_lhs_hint = false} : vector<1x512xf32>, vector<1024x512xf32>, vector<1x1024xf32> -> vector<1x1024xf32>
    %logistic3A_208 = arith.negf %dot_general3A_207 : vector<1x1024xf32>
    %logistic3A_209 = math.exp %logistic3A_208 : vector<1x1024xf32>
    %logistic3A_210 = arith.constant 1.000000e+00 : f32
    %logistic3A_211 = vector.broadcast %logistic3A_210 : f32 to vector<1x1024xf32>
    %logistic3A_212 = arith.addf %logistic3A_211, %logistic3A_209 : vector<1x1024xf32>
    %logistic3A_213 = arith.divf %logistic3A_211, %logistic3A_212 : vector<1x1024xf32>
    %get3A_214 = arith.constant 1 : index
    %get3A_215 = arith.constant 0 : index
    %get3A_216 = arith.constant 0 : index
    %get3A_217 = vector.load %arg2[%get3A_214, %get3A_215, %get3A_216] : memref<4x4x1024xf32, #tpu.memory_space<vmem>>, vector<1x4x1024xf32>
    %get3A_218 = vector.shape_cast %get3A_217 : vector<1x4x1024xf32> to vector<4x1024xf32>
    %ne3A_219 = arith.constant 0.000000e+00 : f32
    %ne3A_220 = vector.broadcast %ne3A_219 : f32 to vector<4x1024xf32>
    %ne3A_221 = arith.cmpf one, %get3A_218, %ne3A_220 : vector<4x1024xf32>
    %broadcast_in_dim3A_222 = vector.shape_cast %logistic3A_213 : vector<1x1024xf32> to vector<1x1024xf32>
    %broadcast_in_dim3A_223 = vector.broadcast %broadcast_in_dim3A_222 : vector<1x1024xf32> to vector<4x1024xf32>
    %broadcast_in_dim3A_224 = vector.shape_cast %logistic3A_43 : vector<1x1xf32> to vector<1x1xf32>
    %broadcast_in_dim3A_225 = vector.broadcast %broadcast_in_dim3A_224 : vector<1x1xf32> to vector<4x1024xf32>
    %select_n3A_226 = arith.select %ne3A_221, %broadcast_in_dim3A_223, %broadcast_in_dim3A_225 : vector<4x1024xi1>, vector<4x1024xf32>
    %mul3A_227 = arith.constant 1024 : i32
    %mul3A_228 = arith.muli %arg0, %mul3A_227 : i32
    %swap3A_229 = arith.constant 4 : index
    %swap3A_230 = arith.index_cast %mul3A_228 : i32 to index
    %swap3A_231 = vector.load %arg10[%swap3A_229, %swap3A_230] : memref<16x4096xf32, #tpu.memory_space<vmem>>, vector<4x1024xf32>
    tpu.vector_store %arg10[%swap3A_229, %swap3A_230], %select_n3A_226 {strides = array<i32>} : memref<16x4096xf32, #tpu.memory_space<vmem>>, vector<4x1024xf32>,
    %get3A_232 = arith.constant 2 : index
    %get3A_233 = arith.constant 0 : index
    %get3A_234 = arith.constant 0 : index
    %get3A_235 = vector.load %arg1[%get3A_232, %get3A_233, %get3A_234] : memref<4x512x1024xf32, #tpu.memory_space<vmem>>, vector<1x512x1024xf32>
    %get3A_236 = vector.shape_cast %get3A_235 : vector<1x512x1024xf32> to vector<512x1024xf32>
    %transpose3A_237 = tpu.transpose %get3A_236, [1, 0] : vector<512x1024xf32> -> vector<1024x512xf32>
    %convert_element_type3A_238 = arith.truncf %transpose3A_237 : vector<1024x512xf32> to vector<1024x512xbf16>
    %slice3A_239 = vector.extract_strided_slice %convert_element_type3A_238 {offsets = [0, 0], sizes = [1024, 256], strides = [1, 1]} : vector<1024x512xbf16> to vector<1024x256xbf16>
    %convert_element_type3A_240 = arith.extf %slice3A_239 : vector<1024x256xbf16> to vector<1024x256xf32>
    %bitcast_convert_type3A_241 = tpu.bitcast %convert_element_type3A_240 : vector<1024x256xf32> -> vector<1024x256xi32>
    %shift_right_logical3A_242 = arith.constant 16 : i32
    %shift_right_logical3A_243 = vector.broadcast %shift_right_logical3A_242 : i32 to vector<1024x256xi32>
    %shift_right_logical3A_244 = arith.shrui %bitcast_convert_type3A_241, %shift_right_logical3A_243 : vector<1024x256xi32>
    %slice3A_245 = vector.extract_strided_slice %convert_element_type3A_238 {offsets = [0, 256], sizes = [1024, 256], strides = [1, 1]} : vector<1024x512xbf16> to vector<1024x256xbf16>
    %convert_element_type3A_246 = arith.extf %slice3A_245 : vector<1024x256xbf16> to vector<1024x256xf32>
    %bitcast_convert_type3A_247 = tpu.bitcast %convert_element_type3A_246 : vector<1024x256xf32> -> vector<1024x256xi32>
    %and3A_248 = arith.constant -65536 : i32
    %and3A_249 = vector.broadcast %and3A_248 : i32 to vector<1024x256xi32>
    %and3A_250 = arith.andi %bitcast_convert_type3A_247, %and3A_249 : vector<1024x256xi32>
    %or3A_251 = arith.ori %and3A_250, %shift_right_logical3A_244 : vector<1024x256xi32>
    %bitcast_convert_type3A_252 = tpu.bitcast %or3A_251 : vector<1024x256xi32> -> vector<1024x256xf32>
    %swap3A_253 = arith.constant 2 : index
    %swap3A_254 = arith.constant 0 : index
    %swap3A_255 = arith.constant 0 : index
    %swap3A_256 = vector.load %arg9[%swap3A_253, %swap3A_254, %swap3A_255] : memref<4x1024x256xf32, #tpu.memory_space<vmem>>, vector<1x1024x256xf32>
    %swap3A_257 = vector.shape_cast %swap3A_256 : vector<1x1024x256xf32> to vector<1024x256xf32>
    %swap3A_258 = vector.shape_cast %bitcast_convert_type3A_252 : vector<1024x256xf32> to vector<1x1024x256xf32>
    tpu.vector_store %arg9[%swap3A_253, %swap3A_254, %swap3A_255], %swap3A_258 {strides = array<i32>} : memref<4x1024x256xf32, #tpu.memory_space<vmem>>, vector<1x1024x256xf32>,
    %dot_general3A_259 = arith.constant dense<0.000000e+00> : vector<1024x512xf32>
    %dot_general3A_260 = tpu.matmul %transpose3A_237, %get3A_1, %dot_general3A_259 {dimension_numbers = #tpu.dot_dimension_numbers<[1], [1], [0], [0], [0, 0, 1, 0], [], []>, transpose_lhs_hint = false} : vector<1024x512xf32>, vector<512x512xf32>, vector<1024x512xf32> -> vector<1024x512xf32>
    %get3A_261 = arith.constant 0 : index
    %get3A_262 = arith.constant 0 : index
    %get3A_263 = vector.load %arg4[%get3A_261, %get3A_262] : memref<1x512xf32, #tpu.memory_space<vmem>>, vector<1x512xf32>
    %add3A_264 = vector.broadcast %get3A_263 : vector<1x512xf32> to vector<1024x512xf32>
    %add3A_265 = arith.addf %dot_general3A_260, %add3A_264 : vector<1024x512xf32>
    %reduce_sum3A_266 = arith.constant dense<0.000000e+00> : vector<1024xf32>
    %reduce_sum3A_267 = vector.multi_reduction <add>, %add3A_265, %reduce_sum3A_266 [1] : vector<1024x512xf32> to vector<1024xf32>
    %broadcast_in_dim3A_268 = vector.shape_cast %reduce_sum3A_267 : vector<1024xf32> to vector<1024x1xf32>
    %div3A_269 = arith.constant 5.120000e+02 : f32
    %div3A_270 = vector.broadcast %div3A_269 : f32 to vector<1024x1xf32>
    %div3A_271 = arith.divf %broadcast_in_dim3A_268, %div3A_270 : vector<1024x1xf32>
    %sub3A_272 = vector.broadcast %div3A_271 : vector<1024x1xf32> to vector<1024x512xf32>
    %sub3A_273 = arith.subf %add3A_265, %sub3A_272 : vector<1024x512xf32>
    %integer_pow3A_274 = arith.mulf %sub3A_273, %sub3A_273 : vector<1024x512xf32>
    %reduce_sum3A_275 = arith.constant dense<0.000000e+00> : vector<1024xf32>
    %reduce_sum3A_276 = vector.multi_reduction <add>, %integer_pow3A_274, %reduce_sum3A_275 [1] : vector<1024x512xf32> to vector<1024xf32>
    %broadcast_in_dim3A_277 = vector.shape_cast %reduce_sum3A_276 : vector<1024xf32> to vector<1024x1xf32>
    %div3A_278 = arith.constant 5.120000e+02 : f32
    %div3A_279 = vector.broadcast %div3A_278 : f32 to vector<1024x1xf32>
    %div3A_280 = arith.divf %broadcast_in_dim3A_277, %div3A_279 : vector<1024x1xf32>
    %sub3A_281 = vector.broadcast %div3A_271 : vector<1024x1xf32> to vector<1024x512xf32>
    %sub3A_282 = arith.subf %add3A_265, %sub3A_281 : vector<1024x512xf32>
    %add3A_283 = arith.constant 9.99999974E-6 : f32
    %add3A_284 = vector.broadcast %add3A_283 : f32 to vector<1024x1xf32>
    %add3A_285 = arith.addf %div3A_280, %add3A_284 : vector<1024x1xf32>
    %sqrt3A_286 = math.sqrt %add3A_285 : vector<1024x1xf32>
    %div3A_287 = vector.broadcast %sqrt3A_286 : vector<1024x1xf32> to vector<1024x512xf32>
    %div3A_288 = arith.divf %sub3A_282, %div3A_287 : vector<1024x512xf32>
    %get3A_289 = arith.constant 0 : index
    %get3A_290 = arith.constant 0 : index
    %get3A_291 = vector.load %arg5[%get3A_289, %get3A_290] : memref<1x512xf32, #tpu.memory_space<vmem>>, vector<1x512xf32>
    %mul3A_292 = vector.broadcast %get3A_291 : vector<1x512xf32> to vector<1024x512xf32>
    %mul3A_293 = arith.mulf %div3A_288, %mul3A_292 : vector<1024x512xf32>
    %get3A_294 = arith.constant 0 : index
    %get3A_295 = arith.constant 0 : index
    %get3A_296 = vector.load %arg6[%get3A_294, %get3A_295] : memref<1x512xf32, #tpu.memory_space<vmem>>, vector<1x512xf32>
    %add3A_297 = vector.broadcast %get3A_296 : vector<1x512xf32> to vector<1024x512xf32>
    %add3A_298 = arith.addf %mul3A_293, %add3A_297 : vector<1024x512xf32>
    %max3A_299 = arith.constant 0.000000e+00 : f32
    %max3A_300 = vector.broadcast %max3A_299 : f32 to vector<1024x512xf32>
    %max3A_301 = arith.maximumf %add3A_298, %max3A_300 : vector<1024x512xf32>
    %get3A_302 = arith.constant 0 : index
    %get3A_303 = arith.constant 0 : index
    %get3A_304 = vector.load %arg7[%get3A_302, %get3A_303] : memref<1x512xf32, #tpu.memory_space<vmem>>, vector<1x512xf32>
    %dot_general3A_305 = arith.constant dense<0.000000e+00> : vector<1x1024xf32>
    %dot_general3A_306 = tpu.matmul %get3A_304, %max3A_301, %dot_general3A_305 {dimension_numbers = #tpu.dot_dimension_numbers<[1], [1], [0], [0], [0, 0, 1, 0], [], []>, transpose_lhs_hint = false} : vector<1x512xf32>, vector<1024x512xf32>, vector<1x1024xf32> -> vector<1x1024xf32>
    %logistic3A_307 = arith.negf %dot_general3A_306 : vector<1x1024xf32>
    %logistic3A_308 = math.exp %logistic3A_307 : vector<1x1024xf32>
    %logistic3A_309 = arith.constant 1.000000e+00 : f32
    %logistic3A_310 = vector.broadcast %logistic3A_309 : f32 to vector<1x1024xf32>
    %logistic3A_311 = arith.addf %logistic3A_310, %logistic3A_308 : vector<1x1024xf32>
    %logistic3A_312 = arith.divf %logistic3A_310, %logistic3A_311 : vector<1x1024xf32>
    %get3A_313 = arith.constant 2 : index
    %get3A_314 = arith.constant 0 : index
    %get3A_315 = arith.constant 0 : index
    %get3A_316 = vector.load %arg2[%get3A_313, %get3A_314, %get3A_315] : memref<4x4x1024xf32, #tpu.memory_space<vmem>>, vector<1x4x1024xf32>
    %get3A_317 = vector.shape_cast %get3A_316 : vector<1x4x1024xf32> to vector<4x1024xf32>
    %ne3A_318 = arith.constant 0.000000e+00 : f32
    %ne3A_319 = vector.broadcast %ne3A_318 : f32 to vector<4x1024xf32>
    %ne3A_320 = arith.cmpf one, %get3A_317, %ne3A_319 : vector<4x1024xf32>
    %broadcast_in_dim3A_321 = vector.shape_cast %logistic3A_312 : vector<1x1024xf32> to vector<1x1024xf32>
    %broadcast_in_dim3A_322 = vector.broadcast %broadcast_in_dim3A_321 : vector<1x1024xf32> to vector<4x1024xf32>
    %broadcast_in_dim3A_323 = vector.shape_cast %logistic3A_43 : vector<1x1xf32> to vector<1x1xf32>
    %broadcast_in_dim3A_324 = vector.broadcast %broadcast_in_dim3A_323 : vector<1x1xf32> to vector<4x1024xf32>
    %select_n3A_325 = arith.select %ne3A_320, %broadcast_in_dim3A_322, %broadcast_in_dim3A_324 : vector<4x1024xi1>, vector<4x1024xf32>
    %mul3A_326 = arith.constant 1024 : i32
    %mul3A_327 = arith.muli %arg0, %mul3A_326 : i32
    %swap3A_328 = arith.constant 8 : index
    %swap3A_329 = arith.index_cast %mul3A_327 : i32 to index
    %swap3A_330 = vector.load %arg10[%swap3A_328, %swap3A_329] : memref<16x4096xf32, #tpu.memory_space<vmem>>, vector<4x1024xf32>
    tpu.vector_store %arg10[%swap3A_328, %swap3A_329], %select_n3A_325 {strides = array<i32>} : memref<16x4096xf32, #tpu.memory_space<vmem>>, vector<4x1024xf32>,
    %get3A_331 = arith.constant 3 : index
    %get3A_332 = arith.constant 0 : index
    %get3A_333 = arith.constant 0 : index
    %get3A_334 = vector.load %arg1[%get3A_331, %get3A_332, %get3A_333] : memref<4x512x1024xf32, #tpu.memory_space<vmem>>, vector<1x512x1024xf32>
    %get3A_335 = vector.shape_cast %get3A_334 : vector<1x512x1024xf32> to vector<512x1024xf32>
    %transpose3A_336 = tpu.transpose %get3A_335, [1, 0] : vector<512x1024xf32> -> vector<1024x512xf32>
    %convert_element_type3A_337 = arith.truncf %transpose3A_336 : vector<1024x512xf32> to vector<1024x512xbf16>
    %slice3A_338 = vector.extract_strided_slice %convert_element_type3A_337 {offsets = [0, 0], sizes = [1024, 256], strides = [1, 1]} : vector<1024x512xbf16> to vector<1024x256xbf16>
    %convert_element_type3A_339 = arith.extf %slice3A_338 : vector<1024x256xbf16> to vector<1024x256xf32>
    %bitcast_convert_type3A_340 = tpu.bitcast %convert_element_type3A_339 : vector<1024x256xf32> -> vector<1024x256xi32>
    %shift_right_logical3A_341 = arith.constant 16 : i32
    %shift_right_logical3A_342 = vector.broadcast %shift_right_logical3A_341 : i32 to vector<1024x256xi32>
    %shift_right_logical3A_343 = arith.shrui %bitcast_convert_type3A_340, %shift_right_logical3A_342 : vector<1024x256xi32>
    %slice3A_344 = vector.extract_strided_slice %convert_element_type3A_337 {offsets = [0, 256], sizes = [1024, 256], strides = [1, 1]} : vector<1024x512xbf16> to vector<1024x256xbf16>
    %convert_element_type3A_345 = arith.extf %slice3A_344 : vector<1024x256xbf16> to vector<1024x256xf32>
    %bitcast_convert_type3A_346 = tpu.bitcast %convert_element_type3A_345 : vector<1024x256xf32> -> vector<1024x256xi32>
    %and3A_347 = arith.constant -65536 : i32
    %and3A_348 = vector.broadcast %and3A_347 : i32 to vector<1024x256xi32>
    %and3A_349 = arith.andi %bitcast_convert_type3A_346, %and3A_348 : vector<1024x256xi32>
    %or3A_350 = arith.ori %and3A_349, %shift_right_logical3A_343 : vector<1024x256xi32>
    %bitcast_convert_type3A_351 = tpu.bitcast %or3A_350 : vector<1024x256xi32> -> vector<1024x256xf32>
    %swap3A_352 = arith.constant 3 : index
    %swap3A_353 = arith.constant 0 : index
    %swap3A_354 = arith.constant 0 : index
    %swap3A_355 = vector.load %arg9[%swap3A_352, %swap3A_353, %swap3A_354] : memref<4x1024x256xf32, #tpu.memory_space<vmem>>, vector<1x1024x256xf32>
    %swap3A_356 = vector.shape_cast %swap3A_355 : vector<1x1024x256xf32> to vector<1024x256xf32>
    %swap3A_357 = vector.shape_cast %bitcast_convert_type3A_351 : vector<1024x256xf32> to vector<1x1024x256xf32>
    tpu.vector_store %arg9[%swap3A_352, %swap3A_353, %swap3A_354], %swap3A_357 {strides = array<i32>} : memref<4x1024x256xf32, #tpu.memory_space<vmem>>, vector<1x1024x256xf32>,
    %dot_general3A_358 = arith.constant dense<0.000000e+00> : vector<1024x512xf32>
    %dot_general3A_359 = tpu.matmul %transpose3A_336, %get3A_1, %dot_general3A_358 {dimension_numbers = #tpu.dot_dimension_numbers<[1], [1], [0], [0], [0, 0, 1, 0], [], []>, transpose_lhs_hint = false} : vector<1024x512xf32>, vector<512x512xf32>, vector<1024x512xf32> -> vector<1024x512xf32>
    %get3A_360 = arith.constant 0 : index
    %get3A_361 = arith.constant 0 : index
    %get3A_362 = vector.load %arg4[%get3A_360, %get3A_361] : memref<1x512xf32, #tpu.memory_space<vmem>>, vector<1x512xf32>
    %add3A_363 = vector.broadcast %get3A_362 : vector<1x512xf32> to vector<1024x512xf32>
    %add3A_364 = arith.addf %dot_general3A_359, %add3A_363 : vector<1024x512xf32>
    %reduce_sum3A_365 = arith.constant dense<0.000000e+00> : vector<1024xf32>
    %reduce_sum3A_366 = vector.multi_reduction <add>, %add3A_364, %reduce_sum3A_365 [1] : vector<1024x512xf32> to vector<1024xf32>
    %broadcast_in_dim3A_367 = vector.shape_cast %reduce_sum3A_366 : vector<1024xf32> to vector<1024x1xf32>
    %div3A_368 = arith.constant 5.120000e+02 : f32
    %div3A_369 = vector.broadcast %div3A_368 : f32 to vector<1024x1xf32>
    %div3A_370 = arith.divf %broadcast_in_dim3A_367, %div3A_369 : vector<1024x1xf32>
    %sub3A_371 = vector.broadcast %div3A_370 : vector<1024x1xf32> to vector<1024x512xf32>
    %sub3A_372 = arith.subf %add3A_364, %sub3A_371 : vector<1024x512xf32>
    %integer_pow3A_373 = arith.mulf %sub3A_372, %sub3A_372 : vector<1024x512xf32>
    %reduce_sum3A_374 = arith.constant dense<0.000000e+00> : vector<1024xf32>
    %reduce_sum3A_375 = vector.multi_reduction <add>, %integer_pow3A_373, %reduce_sum3A_374 [1] : vector<1024x512xf32> to vector<1024xf32>
    %broadcast_in_dim3A_376 = vector.shape_cast %reduce_sum3A_375 : vector<1024xf32> to vector<1024x1xf32>
    %div3A_377 = arith.constant 5.120000e+02 : f32
    %div3A_378 = vector.broadcast %div3A_377 : f32 to vector<1024x1xf32>
    %div3A_379 = arith.divf %broadcast_in_dim3A_376, %div3A_378 : vector<1024x1xf32>
    %sub3A_380 = vector.broadcast %div3A_370 : vector<1024x1xf32> to vector<1024x512xf32>
    %sub3A_381 = arith.subf %add3A_364, %sub3A_380 : vector<1024x512xf32>
    %add3A_382 = arith.constant 9.99999974E-6 : f32
    %add3A_383 = vector.broadcast %add3A_382 : f32 to vector<1024x1xf32>
    %add3A_384 = arith.addf %div3A_379, %add3A_383 : vector<1024x1xf32>
    %sqrt3A_385 = math.sqrt %add3A_384 : vector<1024x1xf32>
    %div3A_386 = vector.broadcast %sqrt3A_385 : vector<1024x1xf32> to vector<1024x512xf32>
    %div3A_387 = arith.divf %sub3A_381, %div3A_386 : vector<1024x512xf32>
    %get3A_388 = arith.constant 0 : index
    %get3A_389 = arith.constant 0 : index
    %get3A_390 = vector.load %arg5[%get3A_388, %get3A_389] : memref<1x512xf32, #tpu.memory_space<vmem>>, vector<1x512xf32>
    %mul3A_391 = vector.broadcast %get3A_390 : vector<1x512xf32> to vector<1024x512xf32>
    %mul3A_392 = arith.mulf %div3A_387, %mul3A_391 : vector<1024x512xf32>
    %get3A_393 = arith.constant 0 : index
    %get3A_394 = arith.constant 0 : index
    %get3A_395 = vector.load %arg6[%get3A_393, %get3A_394] : memref<1x512xf32, #tpu.memory_space<vmem>>, vector<1x512xf32>
    %add3A_396 = vector.broadcast %get3A_395 : vector<1x512xf32> to vector<1024x512xf32>
    %add3A_397 = arith.addf %mul3A_392, %add3A_396 : vector<1024x512xf32>
    %max3A_398 = arith.constant 0.000000e+00 : f32
    %max3A_399 = vector.broadcast %max3A_398 : f32 to vector<1024x512xf32>
    %max3A_400 = arith.maximumf %add3A_397, %max3A_399 : vector<1024x512xf32>
    %get3A_401 = arith.constant 0 : index
    %get3A_402 = arith.constant 0 : index
    %get3A_403 = vector.load %arg7[%get3A_401, %get3A_402] : memref<1x512xf32, #tpu.memory_space<vmem>>, vector<1x512xf32>
    %dot_general3A_404 = arith.constant dense<0.000000e+00> : vector<1x1024xf32>
    %dot_general3A_405 = tpu.matmul %get3A_403, %max3A_400, %dot_general3A_404 {dimension_numbers = #tpu.dot_dimension_numbers<[1], [1], [0], [0], [0, 0, 1, 0], [], []>, transpose_lhs_hint = false} : vector<1x512xf32>, vector<1024x512xf32>, vector<1x1024xf32> -> vector<1x1024xf32>
    %logistic3A_406 = arith.negf %dot_general3A_405 : vector<1x1024xf32>
    %logistic3A_407 = math.exp %logistic3A_406 : vector<1x1024xf32>
    %logistic3A_408 = arith.constant 1.000000e+00 : f32
    %logistic3A_409 = vector.broadcast %logistic3A_408 : f32 to vector<1x1024xf32>
    %logistic3A_410 = arith.addf %logistic3A_409, %logistic3A_407 : vector<1x1024xf32>
    %logistic3A_411 = arith.divf %logistic3A_409, %logistic3A_410 : vector<1x1024xf32>
    %get3A_412 = arith.constant 3 : index
    %get3A_413 = arith.constant 0 : index
    %get3A_414 = arith.constant 0 : index
    %get3A_415 = vector.load %arg2[%get3A_412, %get3A_413, %get3A_414] : memref<4x4x1024xf32, #tpu.memory_space<vmem>>, vector<1x4x1024xf32>
    %get3A_416 = vector.shape_cast %get3A_415 : vector<1x4x1024xf32> to vector<4x1024xf32>
    %ne3A_417 = arith.constant 0.000000e+00 : f32
    %ne3A_418 = vector.broadcast %ne3A_417 : f32 to vector<4x1024xf32>
    %ne3A_419 = arith.cmpf one, %get3A_416, %ne3A_418 : vector<4x1024xf32>
    %broadcast_in_dim3A_420 = vector.shape_cast %logistic3A_411 : vector<1x1024xf32> to vector<1x1024xf32>
    %broadcast_in_dim3A_421 = vector.broadcast %broadcast_in_dim3A_420 : vector<1x1024xf32> to vector<4x1024xf32>
    %broadcast_in_dim3A_422 = vector.shape_cast %logistic3A_43 : vector<1x1xf32> to vector<1x1xf32>
    %broadcast_in_dim3A_423 = vector.broadcast %broadcast_in_dim3A_422 : vector<1x1xf32> to vector<4x1024xf32>
    %select_n3A_424 = arith.select %ne3A_419, %broadcast_in_dim3A_421, %broadcast_in_dim3A_423 : vector<4x1024xi1>, vector<4x1024xf32>
    %mul3A_425 = arith.constant 1024 : i32
    %mul3A_426 = arith.muli %arg0, %mul3A_425 : i32
    %swap3A_427 = arith.constant 12 : index
    %swap3A_428 = arith.index_cast %mul3A_426 : i32 to index
    %swap3A_429 = vector.load %arg10[%swap3A_427, %swap3A_428] : memref<16x4096xf32, #tpu.memory_space<vmem>>, vector<4x1024xf32>
    tpu.vector_store %arg10[%swap3A_427, %swap3A_428], %select_n3A_424 {strides = array<i32>} : memref<16x4096xf32, #tpu.memory_space<vmem>>, vector<4x1024xf32>,
    %eq3A = arith.constant 3 : i32
    %eq3A_430 = arith.cmpi eq, %arg0, %eq3A : i32
    %convert_element_type3A_431 = arith.extui %eq3A_430 : i1 to i32
    %cond3A = arith.constant 0 : i32
    %cond3A_432 = arith.cmpi ne, %convert_element_type3A_431, %cond3A : i32
    scf.if %cond3A_432 {
      %iota3A = tpu.iota {dimensions = array<i32: 1>} : vector<16x4096xi32>
      %iota3A_433 = tpu.iota {dimensions = array<i32: 1>} : vector<16x64xi32>
      %scan3A = arith.constant 0 : i32
      %scan3A_434 = arith.constant 64 : i32
      %scan3A_435 = arith.addi %scan3A, %scan3A_434 : i32
      %scan3A_436 = arith.constant 1 : i32
      scf.for %scan3A_477 = %scan3A to %scan3A_435 step %scan3A_436  : i32 {
        %get3A_478 = arith.constant 0 : index
        %get3A_479 = arith.constant 0 : index
        %get3A_480 = vector.load %arg10[%get3A_478, %get3A_479] : memref<16x4096xf32, #tpu.memory_space<vmem>>, vector<16x4096xf32>
        %reduce_max3A = arith.constant dense<0xFF800000> : vector<16xf32>
        %reduce_max3A_481 = vector.multi_reduction <maximumf>, %get3A_480, %reduce_max3A [1] : vector<16x4096xf32> to vector<16xf32>
        %broadcast_in_dim3A_482 = vector.shape_cast %reduce_max3A_481 : vector<16xf32> to vector<16x1xf32>
        %eq3A_483 = vector.broadcast %broadcast_in_dim3A_482 : vector<16x1xf32> to vector<16x4096xf32>
        %eq3A_484 = arith.cmpf oeq, %get3A_480, %eq3A_483 : vector<16x4096xf32>
        %jit3A_485 = arith.constant 4096 : i32
        %broadcast_in_dim3A_486 = vector.broadcast %jit3A_485 : i32 to vector<16x4096xi32>
        %select_n3A_487 = arith.select %eq3A_484, %iota3A, %broadcast_in_dim3A_486 : vector<16x4096xi1>, vector<16x4096xi32>
        %reduce_min3A = arith.constant dense<2147483647> : vector<16xi32>
        %reduce_min3A_488 = vector.multi_reduction <minsi>, %select_n3A_487, %reduce_min3A [1] : vector<16x4096xi32> to vector<16xi32>
        %broadcast_in_dim3A_489 = vector.shape_cast %reduce_min3A_488 : vector<16xi32> to vector<16x1xi32>
        %eq3A_490 = vector.broadcast %scan3A_477 : i32 to vector<16x64xi32>
        %eq3A_491 = arith.cmpi eq, %iota3A_433, %eq3A_490 : vector<16x64xi32>
        %get3A_492 = arith.constant 0 : index
        %get3A_493 = arith.constant 0 : index
        %get3A_494 = vector.load %arg11[%get3A_492, %get3A_493] : memref<16x64xi32, #tpu.memory_space<vmem>>, vector<16x64xi32>
        %broadcast_in_dim3A_495 = vector.shape_cast %broadcast_in_dim3A_489 : vector<16x1xi32> to vector<16x1xi32>
        %broadcast_in_dim3A_496 = vector.broadcast %broadcast_in_dim3A_495 : vector<16x1xi32> to vector<16x64xi32>
        %select_n3A_497 = arith.select %eq3A_491, %broadcast_in_dim3A_496, %get3A_494 : vector<16x64xi1>, vector<16x64xi32>
        %swap3A_498 = arith.constant 0 : index
        %swap3A_499 = arith.constant 0 : index
        %swap3A_500 = vector.load %arg11[%swap3A_498, %swap3A_499] : memref<16x64xi32, #tpu.memory_space<vmem>>, vector<16x64xi32>
        tpu.vector_store %arg11[%swap3A_498, %swap3A_499], %select_n3A_497 {strides = array<i32>} : memref<16x64xi32, #tpu.memory_space<vmem>>, vector<16x64xi32>,
        %eq3A_501 = vector.broadcast %broadcast_in_dim3A_489 : vector<16x1xi32> to vector<16x4096xi32>
        %eq3A_502 = arith.cmpi eq, %iota3A, %eq3A_501 : vector<16x4096xi32>
        %jit3A_503 = arith.constant 0xFF800000 : f32
        %broadcast_in_dim3A_504 = vector.broadcast %jit3A_503 : f32 to vector<16x4096xf32>
        %select_n3A_505 = arith.select %eq3A_502, %broadcast_in_dim3A_504, %get3A_480 : vector<16x4096xi1>, vector<16x4096xf32>
        %swap3A_506 = arith.constant 0 : index
        %swap3A_507 = arith.constant 0 : index
        %swap3A_508 = vector.load %arg10[%swap3A_506, %swap3A_507] : memref<16x4096xf32, #tpu.memory_space<vmem>>, vector<16x4096xf32>
        tpu.vector_store %arg10[%swap3A_506, %swap3A_507], %select_n3A_505 {strides = array<i32>} : memref<16x4096xf32, #tpu.memory_space<vmem>>, vector<16x4096xf32>,
      }
      %scan3A_437 = arith.constant 64 : i32
      %iota3A_438 = tpu.iota {dimensions = array<i32: 0>} : vector<16x64xi32>
      %get3A_439 = arith.constant 0 : index
      %get3A_440 = arith.constant 0 : index
      %get3A_441 = vector.load %arg11[%get3A_439, %get3A_440] : memref<16x64xi32, #tpu.memory_space<vmem>>, vector<16x64xi32>
      %jit3A = arith.constant 4 : i32
      %div3A_442 = vector.broadcast %jit3A : i32 to vector<16x64xi32>
      %div3A_443 = arith.divsi %iota3A_438, %div3A_442 : vector<16x64xi32>
      %sign3A = arith.constant 0 : i32
      %sign3A_444 = vector.broadcast %sign3A : i32 to vector<16x64xi32>
      %sign3A_445 = arith.cmpi sgt, %iota3A_438, %sign3A_444 : vector<16x64xi32>
      %sign3A_446 = arith.extui %sign3A_445 : vector<16x64xi1> to vector<16x64xi32>
      %sign3A_447 = arith.constant 0 : i32
      %sign3A_448 = vector.broadcast %sign3A_447 : i32 to vector<16x64xi32>
      %sign3A_449 = arith.cmpi slt, %iota3A_438, %sign3A_448 : vector<16x64xi32>
      %sign3A_450 = arith.extui %sign3A_449 : vector<16x64xi1> to vector<16x64xi32>
      %sign3A_451 = arith.subi %sign3A_446, %sign3A_450 : vector<16x64xi32>
      %sign3A_452 = arith.constant 0 : i32
      %sign3A_453 = arith.cmpi sgt, %jit3A, %sign3A_452 : i32
      %sign3A_454 = arith.extui %sign3A_453 : i1 to i32
      %sign3A_455 = arith.constant 0 : i32
      %sign3A_456 = arith.cmpi slt, %jit3A, %sign3A_455 : i32
      %sign3A_457 = arith.extui %sign3A_456 : i1 to i32
      %sign3A_458 = arith.subi %sign3A_454, %sign3A_457 : i32
      %ne3A_459 = vector.broadcast %sign3A_458 : i32 to vector<16x64xi32>
      %ne3A_460 = arith.cmpi ne, %sign3A_451, %ne3A_459 : vector<16x64xi32>
      %rem3A = vector.broadcast %jit3A : i32 to vector<16x64xi32>
      %rem3A_461 = arith.remsi %iota3A_438, %rem3A : vector<16x64xi32>
      %ne3A_462 = arith.constant 0 : i32
      %ne3A_463 = vector.broadcast %ne3A_462 : i32 to vector<16x64xi32>
      %ne3A_464 = arith.cmpi ne, %rem3A_461, %ne3A_463 : vector<16x64xi32>
      %and3A_465 = arith.andi %ne3A_460, %ne3A_464 : vector<16x64xi1>
      %sub3A_466 = arith.constant 1 : i32
      %sub3A_467 = vector.broadcast %sub3A_466 : i32 to vector<16x64xi32>
      %sub3A_468 = arith.subi %div3A_443, %sub3A_467 : vector<16x64xi32>
      %select_n3A_469 = arith.select %and3A_465, %sub3A_468, %div3A_443 : vector<16x64xi1>, vector<16x64xi32>
      %mul3A_470 = arith.constant 4096 : i32
      %mul3A_471 = vector.broadcast %mul3A_470 : i32 to vector<16x64xi32>
      %mul3A_472 = arith.muli %select_n3A_469, %mul3A_471 : vector<16x64xi32>
      %add3A_473 = arith.addi %get3A_441, %mul3A_472 : vector<16x64xi32>
      %swap3A_474 = arith.constant 0 : index
      %swap3A_475 = arith.constant 0 : index
      %swap3A_476 = vector.load %arg8[%swap3A_474, %swap3A_475] : memref<16x64xi32, #tpu.memory_space<vmem>>, vector<16x64xi32>
      tpu.vector_store %arg8[%swap3A_474, %swap3A_475], %add3A_473 {strides = array<i32>} : memref<16x64xi32, #tpu.memory_space<vmem>>, vector<16x64xi32>,
    } else {
    }
    return
  }
  func.func @transform_0(%arg0: i32) -> (i32, i32, i32) {
    %c0_i32 = arith.constant 0 : i32
    %c0_i32_0 = arith.constant 0 : i32
    %c0_i32_1 = arith.constant 0 : i32
    return %c0_i32, %c0_i32_0, %arg0 : i32, i32, i32
  }
  func.func @transform_1(%arg0: i32) -> (i32, i32, i32) {
    %c0_i32 = arith.constant 0 : i32
    %c0_i32_0 = arith.constant 0 : i32
    %c0_i32_1 = arith.constant 0 : i32
    return %c0_i32, %c0_i32_0, %arg0 : i32, i32, i32
  }
  func.func @transform_2(%arg0: i32) -> (i32, i32) {
    %c0_i32 = arith.constant 0 : i32
    %c0_i32_0 = arith.constant 0 : i32
    %c0_i32_1 = arith.constant 0 : i32
    return %c0_i32, %c0_i32_0 : i32, i32
  }
  func.func @transform_3(%arg0: i32) -> (i32, i32) {
    %c0_i32 = arith.constant 0 : i32
    %c0_i32_0 = arith.constant 0 : i32
    %c0_i32_1 = arith.constant 0 : i32
    return %c0_i32, %c0_i32_0 : i32, i32
  }
  func.func @transform_4(%arg0: i32) -> (i32, i32) {
    %c0_i32 = arith.constant 0 : i32
    %c0_i32_0 = arith.constant 0 : i32
    %c0_i32_1 = arith.constant 0 : i32
    return %c0_i32, %c0_i32_0 : i32, i32
  }
  func.func @transform_5(%arg0: i32) -> (i32, i32) {
    %c0_i32 = arith.constant 0 : i32
    %c0_i32_0 = arith.constant 0 : i32
    %c0_i32_1 = arith.constant 0 : i32
    return %c0_i32, %c0_i32_0 : i32, i32
  }
  func.func @transform_6(%arg0: i32) -> (i32, i32) {
    %c0_i32 = arith.constant 0 : i32
    %c0_i32_0 = arith.constant 0 : i32
    %c0_i32_1 = arith.constant 0 : i32
    return %c0_i32, %c0_i32_0 : i32, i32
  }
  func.func @transform_7(%arg0: i32) -> (i32, i32) {
    %c0_i32 = arith.constant 0 : i32
    %c0_i32_0 = arith.constant 0 : i32
    %c0_i32_1 = arith.constant 0 : i32
    return %c0_i32, %c0_i32_0 : i32, i32
  }
  func.func @transform_8(%arg0: i32) -> (i32, i32, i32) {
    %c0_i32 = arith.constant 0 : i32
    %c0_i32_0 = arith.constant 0 : i32
    %c0_i32_1 = arith.constant 0 : i32
    return %c0_i32, %arg0, %c0_i32_0 : i32, i32, i32
  }
}

module attributes {stable_mosaic.version = 14 : i64} {
  func.func @_attn_body(%arg0: i32, %arg1: memref<1x256x256xf32, #tpu.memory_space<vmem>>, %arg2: memref<1x64x512xf32, #tpu.memory_space<vmem>>, %arg3: memref<512x512xbf16, #tpu.memory_space<vmem>>, %arg4: memref<1x512xf32, #tpu.memory_space<vmem>>, %arg5: memref<512x512xbf16, #tpu.memory_space<vmem>>, %arg6: memref<1x512xf32, #tpu.memory_space<vmem>>, %arg7: memref<512x512xbf16, #tpu.memory_space<vmem>>, %arg8: memref<1x512xf32, #tpu.memory_space<vmem>>, %arg9: memref<512x512xbf16, #tpu.memory_space<vmem>>, %arg10: memref<1x512xf32, #tpu.memory_space<vmem>>, %arg11: memref<1x320x512xf32, #tpu.memory_space<vmem>>) attributes {dimension_semantics = [#tpu.dimension_semantics<arbitrary>], iteration_bounds = array<i64: 4>, scalar_prefetch = 0 : i64, scratch_operands = 0 : i64, tpu.core_type = #tpu.core_type<tc>, window_params = [{transform_indices = @transform_0, window_bounds = array<i64: 1, 256, 256>}, {transform_indices = @transform_1, window_bounds = array<i64: 1, 64, 512>}, {pipeline_mode = #tpu.pipeline_mode<synchronous>, transform_indices = @transform_2, window_bounds = array<i64: 512, 512>}, {pipeline_mode = #tpu.pipeline_mode<synchronous>, transform_indices = @transform_3, window_bounds = array<i64: 1, 512>}, {pipeline_mode = #tpu.pipeline_mode<synchronous>, transform_indices = @transform_4, window_bounds = array<i64: 512, 512>}, {pipeline_mode = #tpu.pipeline_mode<synchronous>, transform_indices = @transform_5, window_bounds = array<i64: 1, 512>}, {pipeline_mode = #tpu.pipeline_mode<synchronous>, transform_indices = @transform_6, window_bounds = array<i64: 512, 512>}, {pipeline_mode = #tpu.pipeline_mode<synchronous>, transform_indices = @transform_7, window_bounds = array<i64: 1, 512>}, {pipeline_mode = #tpu.pipeline_mode<synchronous>, transform_indices = @transform_8, window_bounds = array<i64: 512, 512>}, {pipeline_mode = #tpu.pipeline_mode<synchronous>, transform_indices = @transform_9, window_bounds = array<i64: 1, 512>}, {transform_indices = @transform_10, window_bounds = array<i64: 1, 320, 512>}]} {
    %get3A = arith.constant 0 : index
    %get3A_0 = arith.constant 0 : index
    %get3A_1 = arith.constant 0 : index
    %get3A_2 = vector.load %arg1[%get3A, %get3A_0, %get3A_1] : memref<1x256x256xf32, #tpu.memory_space<vmem>>, vector<1x256x256xf32>
    %get3A_3 = vector.shape_cast %get3A_2 : vector<1x256x256xf32> to vector<256x256xf32>
    %bitcast_convert_type3A = tpu.bitcast %get3A_3 : vector<256x256xf32> -> vector<256x256xi32>
    %shift_left3A = arith.constant 16 : i32
    %shift_left3A_4 = vector.broadcast %shift_left3A : i32 to vector<256x256xi32>
    %shift_left3A_5 = arith.shli %bitcast_convert_type3A, %shift_left3A_4 : vector<256x256xi32>
    %bitcast_convert_type3A_6 = tpu.bitcast %shift_left3A_5 : vector<256x256xi32> -> vector<256x256xf32>
    %and3A = arith.constant -65536 : i32
    %and3A_7 = vector.broadcast %and3A : i32 to vector<256x256xi32>
    %and3A_8 = arith.andi %bitcast_convert_type3A, %and3A_7 : vector<256x256xi32>
    %bitcast_convert_type3A_9 = tpu.bitcast %and3A_8 : vector<256x256xi32> -> vector<256x256xf32>
    %concatenate3A = tpu.concatenate %bitcast_convert_type3A_6, %bitcast_convert_type3A_9 in 1 : vector<256x256xf32>, vector<256x256xf32> -> vector<256x512xf32>
    %convert_element_type3A = arith.truncf %concatenate3A : vector<256x512xf32> to vector<256x512xbf16>
    %get3A_10 = arith.constant 0 : index
    %get3A_11 = arith.constant 0 : index
    %get3A_12 = arith.constant 0 : index
    %get3A_13 = vector.load %arg2[%get3A_10, %get3A_11, %get3A_12] : memref<1x64x512xf32, #tpu.memory_space<vmem>>, vector<1x64x512xf32>
    %get3A_14 = vector.shape_cast %get3A_13 : vector<1x64x512xf32> to vector<64x512xf32>
    %convert_element_type3A_15 = arith.truncf %get3A_14 : vector<64x512xf32> to vector<64x512xbf16>
    %concatenate3A_16 = tpu.concatenate %convert_element_type3A, %convert_element_type3A_15 in 0 : vector<256x512xbf16>, vector<64x512xbf16> -> vector<320x512xbf16>
    %get3A_17 = arith.constant 0 : index
    %get3A_18 = arith.constant 0 : index
    %get3A_19 = vector.load %arg3[%get3A_17, %get3A_18] : memref<512x512xbf16, #tpu.memory_space<vmem>>, vector<512x512xbf16>
    %dot_general3A = arith.constant dense<0.000000e+00> : vector<320x512xf32>
    %dot_general3A_20 = tpu.matmul %concatenate3A_16, %get3A_19, %dot_general3A {dimension_numbers = #tpu.dot_dimension_numbers<[1], [1], [0], [0], [0, 0, 1, 0], [], []>, transpose_lhs_hint = false} : vector<320x512xbf16>, vector<512x512xbf16>, vector<320x512xf32> -> vector<320x512xf32>
    %get3A_21 = arith.constant 0 : index
    %get3A_22 = arith.constant 0 : index
    %get3A_23 = vector.load %arg4[%get3A_21, %get3A_22] : memref<1x512xf32, #tpu.memory_space<vmem>>, vector<1x512xf32>
    %add3A = vector.broadcast %get3A_23 : vector<1x512xf32> to vector<320x512xf32>
    %add3A_24 = arith.addf %dot_general3A_20, %add3A : vector<320x512xf32>
    %get3A_25 = arith.constant 0 : index
    %get3A_26 = arith.constant 0 : index
    %get3A_27 = vector.load %arg5[%get3A_25, %get3A_26] : memref<512x512xbf16, #tpu.memory_space<vmem>>, vector<512x512xbf16>
    %dot_general3A_28 = arith.constant dense<0.000000e+00> : vector<320x512xf32>
    %dot_general3A_29 = tpu.matmul %concatenate3A_16, %get3A_27, %dot_general3A_28 {dimension_numbers = #tpu.dot_dimension_numbers<[1], [1], [0], [0], [0, 0, 1, 0], [], []>, transpose_lhs_hint = false} : vector<320x512xbf16>, vector<512x512xbf16>, vector<320x512xf32> -> vector<320x512xf32>
    %get3A_30 = arith.constant 0 : index
    %get3A_31 = arith.constant 0 : index
    %get3A_32 = vector.load %arg6[%get3A_30, %get3A_31] : memref<1x512xf32, #tpu.memory_space<vmem>>, vector<1x512xf32>
    %add3A_33 = vector.broadcast %get3A_32 : vector<1x512xf32> to vector<320x512xf32>
    %add3A_34 = arith.addf %dot_general3A_29, %add3A_33 : vector<320x512xf32>
    %get3A_35 = arith.constant 0 : index
    %get3A_36 = arith.constant 0 : index
    %get3A_37 = vector.load %arg7[%get3A_35, %get3A_36] : memref<512x512xbf16, #tpu.memory_space<vmem>>, vector<512x512xbf16>
    %dot_general3A_38 = arith.constant dense<0.000000e+00> : vector<320x512xf32>
    %dot_general3A_39 = tpu.matmul %concatenate3A_16, %get3A_37, %dot_general3A_38 {dimension_numbers = #tpu.dot_dimension_numbers<[1], [1], [0], [0], [0, 0, 1, 0], [], []>, transpose_lhs_hint = false} : vector<320x512xbf16>, vector<512x512xbf16>, vector<320x512xf32> -> vector<320x512xf32>
    %get3A_40 = arith.constant 0 : index
    %get3A_41 = arith.constant 0 : index
    %get3A_42 = vector.load %arg8[%get3A_40, %get3A_41] : memref<1x512xf32, #tpu.memory_space<vmem>>, vector<1x512xf32>
    %add3A_43 = vector.broadcast %get3A_42 : vector<1x512xf32> to vector<320x512xf32>
    %add3A_44 = arith.addf %dot_general3A_39, %add3A_43 : vector<320x512xf32>
    %slice3A = vector.extract_strided_slice %add3A_24 {offsets = [0, 0], sizes = [320, 64], strides = [1, 1]} : vector<320x512xf32> to vector<320x64xf32>
    %convert_element_type3A_45 = arith.truncf %slice3A : vector<320x64xf32> to vector<320x64xbf16>
    %slice3A_46 = vector.extract_strided_slice %add3A_34 {offsets = [0, 0], sizes = [320, 64], strides = [1, 1]} : vector<320x512xf32> to vector<320x64xf32>
    %convert_element_type3A_47 = arith.truncf %slice3A_46 : vector<320x64xf32> to vector<320x64xbf16>
    %slice3A_48 = vector.extract_strided_slice %add3A_44 {offsets = [0, 0], sizes = [320, 64], strides = [1, 1]} : vector<320x512xf32> to vector<320x64xf32>
    %convert_element_type3A_49 = arith.truncf %slice3A_48 : vector<320x64xf32> to vector<320x64xbf16>
    %dot_general3A_50 = arith.constant dense<0.000000e+00> : vector<320x320xf32>
    %dot_general3A_51 = tpu.matmul %convert_element_type3A_45, %convert_element_type3A_47, %dot_general3A_50 {dimension_numbers = #tpu.dot_dimension_numbers<[1], [1], [0], [0], [0, 0, 1, 0], [], []>, transpose_lhs_hint = false} : vector<320x64xbf16>, vector<320x64xbf16>, vector<320x320xf32> -> vector<320x320xf32>
    %div3A = arith.constant 8.000000e+00 : f32
    %div3A_52 = vector.broadcast %div3A : f32 to vector<320x320xf32>
    %div3A_53 = arith.divf %dot_general3A_51, %div3A_52 : vector<320x320xf32>
    %reduce_max3A = arith.constant dense<0xFF800000> : vector<320xf32>
    %reduce_max3A_54 = vector.multi_reduction <maximumf>, %div3A_53, %reduce_max3A [1] : vector<320x320xf32> to vector<320xf32>
    %max3A = arith.constant 0xFF800000 : f32
    %max3A_55 = vector.broadcast %max3A : f32 to vector<320xf32>
    %max3A_56 = arith.maximumf %max3A_55, %reduce_max3A_54 : vector<320xf32>
    %broadcast_in_dim3A = vector.shape_cast %max3A_56 : vector<320xf32> to vector<320x1xf32>
    %sub3A = vector.broadcast %broadcast_in_dim3A : vector<320x1xf32> to vector<320x320xf32>
    %sub3A_57 = arith.subf %div3A_53, %sub3A : vector<320x320xf32>
    %exp3A = math.exp %sub3A_57 : vector<320x320xf32>
    %reduce_sum3A = arith.constant dense<0.000000e+00> : vector<320xf32>
    %reduce_sum3A_58 = vector.multi_reduction <add>, %exp3A, %reduce_sum3A [1] : vector<320x320xf32> to vector<320xf32>
    %broadcast_in_dim3A_59 = vector.shape_cast %reduce_sum3A_58 : vector<320xf32> to vector<320x1xf32>
    %div3A_60 = vector.broadcast %broadcast_in_dim3A_59 : vector<320x1xf32> to vector<320x320xf32>
    %div3A_61 = arith.divf %exp3A, %div3A_60 : vector<320x320xf32>
    %convert_element_type3A_62 = arith.truncf %div3A_61 : vector<320x320xf32> to vector<320x320xbf16>
    %dot_general3A_63 = arith.constant dense<0.000000e+00> : vector<320x64xf32>
    %dot_general3A_64 = tpu.matmul %convert_element_type3A_62, %convert_element_type3A_49, %dot_general3A_63 {dimension_numbers = #tpu.dot_dimension_numbers<[1], [0], [0], [1], [0, 0, 1, 1], [], []>, transpose_lhs_hint = false} : vector<320x320xbf16>, vector<320x64xbf16>, vector<320x64xf32> -> vector<320x64xf32>
    %slice3A_65 = vector.extract_strided_slice %add3A_24 {offsets = [0, 64], sizes = [320, 64], strides = [1, 1]} : vector<320x512xf32> to vector<320x64xf32>
    %convert_element_type3A_66 = arith.truncf %slice3A_65 : vector<320x64xf32> to vector<320x64xbf16>
    %slice3A_67 = vector.extract_strided_slice %add3A_34 {offsets = [0, 64], sizes = [320, 64], strides = [1, 1]} : vector<320x512xf32> to vector<320x64xf32>
    %convert_element_type3A_68 = arith.truncf %slice3A_67 : vector<320x64xf32> to vector<320x64xbf16>
    %slice3A_69 = vector.extract_strided_slice %add3A_44 {offsets = [0, 64], sizes = [320, 64], strides = [1, 1]} : vector<320x512xf32> to vector<320x64xf32>
    %convert_element_type3A_70 = arith.truncf %slice3A_69 : vector<320x64xf32> to vector<320x64xbf16>
    %dot_general3A_71 = arith.constant dense<0.000000e+00> : vector<320x320xf32>
    %dot_general3A_72 = tpu.matmul %convert_element_type3A_66, %convert_element_type3A_68, %dot_general3A_71 {dimension_numbers = #tpu.dot_dimension_numbers<[1], [1], [0], [0], [0, 0, 1, 0], [], []>, transpose_lhs_hint = false} : vector<320x64xbf16>, vector<320x64xbf16>, vector<320x320xf32> -> vector<320x320xf32>
    %div3A_73 = arith.constant 8.000000e+00 : f32
    %div3A_74 = vector.broadcast %div3A_73 : f32 to vector<320x320xf32>
    %div3A_75 = arith.divf %dot_general3A_72, %div3A_74 : vector<320x320xf32>
    %reduce_max3A_76 = arith.constant dense<0xFF800000> : vector<320xf32>
    %reduce_max3A_77 = vector.multi_reduction <maximumf>, %div3A_75, %reduce_max3A_76 [1] : vector<320x320xf32> to vector<320xf32>
    %max3A_78 = arith.constant 0xFF800000 : f32
    %max3A_79 = vector.broadcast %max3A_78 : f32 to vector<320xf32>
    %max3A_80 = arith.maximumf %max3A_79, %reduce_max3A_77 : vector<320xf32>
    %broadcast_in_dim3A_81 = vector.shape_cast %max3A_80 : vector<320xf32> to vector<320x1xf32>
    %sub3A_82 = vector.broadcast %broadcast_in_dim3A_81 : vector<320x1xf32> to vector<320x320xf32>
    %sub3A_83 = arith.subf %div3A_75, %sub3A_82 : vector<320x320xf32>
    %exp3A_84 = math.exp %sub3A_83 : vector<320x320xf32>
    %reduce_sum3A_85 = arith.constant dense<0.000000e+00> : vector<320xf32>
    %reduce_sum3A_86 = vector.multi_reduction <add>, %exp3A_84, %reduce_sum3A_85 [1] : vector<320x320xf32> to vector<320xf32>
    %broadcast_in_dim3A_87 = vector.shape_cast %reduce_sum3A_86 : vector<320xf32> to vector<320x1xf32>
    %div3A_88 = vector.broadcast %broadcast_in_dim3A_87 : vector<320x1xf32> to vector<320x320xf32>
    %div3A_89 = arith.divf %exp3A_84, %div3A_88 : vector<320x320xf32>
    %convert_element_type3A_90 = arith.truncf %div3A_89 : vector<320x320xf32> to vector<320x320xbf16>
    %dot_general3A_91 = arith.constant dense<0.000000e+00> : vector<320x64xf32>
    %dot_general3A_92 = tpu.matmul %convert_element_type3A_90, %convert_element_type3A_70, %dot_general3A_91 {dimension_numbers = #tpu.dot_dimension_numbers<[1], [0], [0], [1], [0, 0, 1, 1], [], []>, transpose_lhs_hint = false} : vector<320x320xbf16>, vector<320x64xbf16>, vector<320x64xf32> -> vector<320x64xf32>
    %slice3A_93 = vector.extract_strided_slice %add3A_24 {offsets = [0, 128], sizes = [320, 64], strides = [1, 1]} : vector<320x512xf32> to vector<320x64xf32>
    %convert_element_type3A_94 = arith.truncf %slice3A_93 : vector<320x64xf32> to vector<320x64xbf16>
    %slice3A_95 = vector.extract_strided_slice %add3A_34 {offsets = [0, 128], sizes = [320, 64], strides = [1, 1]} : vector<320x512xf32> to vector<320x64xf32>
    %convert_element_type3A_96 = arith.truncf %slice3A_95 : vector<320x64xf32> to vector<320x64xbf16>
    %slice3A_97 = vector.extract_strided_slice %add3A_44 {offsets = [0, 128], sizes = [320, 64], strides = [1, 1]} : vector<320x512xf32> to vector<320x64xf32>
    %convert_element_type3A_98 = arith.truncf %slice3A_97 : vector<320x64xf32> to vector<320x64xbf16>
    %dot_general3A_99 = arith.constant dense<0.000000e+00> : vector<320x320xf32>
    %dot_general3A_100 = tpu.matmul %convert_element_type3A_94, %convert_element_type3A_96, %dot_general3A_99 {dimension_numbers = #tpu.dot_dimension_numbers<[1], [1], [0], [0], [0, 0, 1, 0], [], []>, transpose_lhs_hint = false} : vector<320x64xbf16>, vector<320x64xbf16>, vector<320x320xf32> -> vector<320x320xf32>
    %div3A_101 = arith.constant 8.000000e+00 : f32
    %div3A_102 = vector.broadcast %div3A_101 : f32 to vector<320x320xf32>
    %div3A_103 = arith.divf %dot_general3A_100, %div3A_102 : vector<320x320xf32>
    %reduce_max3A_104 = arith.constant dense<0xFF800000> : vector<320xf32>
    %reduce_max3A_105 = vector.multi_reduction <maximumf>, %div3A_103, %reduce_max3A_104 [1] : vector<320x320xf32> to vector<320xf32>
    %max3A_106 = arith.constant 0xFF800000 : f32
    %max3A_107 = vector.broadcast %max3A_106 : f32 to vector<320xf32>
    %max3A_108 = arith.maximumf %max3A_107, %reduce_max3A_105 : vector<320xf32>
    %broadcast_in_dim3A_109 = vector.shape_cast %max3A_108 : vector<320xf32> to vector<320x1xf32>
    %sub3A_110 = vector.broadcast %broadcast_in_dim3A_109 : vector<320x1xf32> to vector<320x320xf32>
    %sub3A_111 = arith.subf %div3A_103, %sub3A_110 : vector<320x320xf32>
    %exp3A_112 = math.exp %sub3A_111 : vector<320x320xf32>
    %reduce_sum3A_113 = arith.constant dense<0.000000e+00> : vector<320xf32>
    %reduce_sum3A_114 = vector.multi_reduction <add>, %exp3A_112, %reduce_sum3A_113 [1] : vector<320x320xf32> to vector<320xf32>
    %broadcast_in_dim3A_115 = vector.shape_cast %reduce_sum3A_114 : vector<320xf32> to vector<320x1xf32>
    %div3A_116 = vector.broadcast %broadcast_in_dim3A_115 : vector<320x1xf32> to vector<320x320xf32>
    %div3A_117 = arith.divf %exp3A_112, %div3A_116 : vector<320x320xf32>
    %convert_element_type3A_118 = arith.truncf %div3A_117 : vector<320x320xf32> to vector<320x320xbf16>
    %dot_general3A_119 = arith.constant dense<0.000000e+00> : vector<320x64xf32>
    %dot_general3A_120 = tpu.matmul %convert_element_type3A_118, %convert_element_type3A_98, %dot_general3A_119 {dimension_numbers = #tpu.dot_dimension_numbers<[1], [0], [0], [1], [0, 0, 1, 1], [], []>, transpose_lhs_hint = false} : vector<320x320xbf16>, vector<320x64xbf16>, vector<320x64xf32> -> vector<320x64xf32>
    %slice3A_121 = vector.extract_strided_slice %add3A_24 {offsets = [0, 192], sizes = [320, 64], strides = [1, 1]} : vector<320x512xf32> to vector<320x64xf32>
    %convert_element_type3A_122 = arith.truncf %slice3A_121 : vector<320x64xf32> to vector<320x64xbf16>
    %slice3A_123 = vector.extract_strided_slice %add3A_34 {offsets = [0, 192], sizes = [320, 64], strides = [1, 1]} : vector<320x512xf32> to vector<320x64xf32>
    %convert_element_type3A_124 = arith.truncf %slice3A_123 : vector<320x64xf32> to vector<320x64xbf16>
    %slice3A_125 = vector.extract_strided_slice %add3A_44 {offsets = [0, 192], sizes = [320, 64], strides = [1, 1]} : vector<320x512xf32> to vector<320x64xf32>
    %convert_element_type3A_126 = arith.truncf %slice3A_125 : vector<320x64xf32> to vector<320x64xbf16>
    %dot_general3A_127 = arith.constant dense<0.000000e+00> : vector<320x320xf32>
    %dot_general3A_128 = tpu.matmul %convert_element_type3A_122, %convert_element_type3A_124, %dot_general3A_127 {dimension_numbers = #tpu.dot_dimension_numbers<[1], [1], [0], [0], [0, 0, 1, 0], [], []>, transpose_lhs_hint = false} : vector<320x64xbf16>, vector<320x64xbf16>, vector<320x320xf32> -> vector<320x320xf32>
    %div3A_129 = arith.constant 8.000000e+00 : f32
    %div3A_130 = vector.broadcast %div3A_129 : f32 to vector<320x320xf32>
    %div3A_131 = arith.divf %dot_general3A_128, %div3A_130 : vector<320x320xf32>
    %reduce_max3A_132 = arith.constant dense<0xFF800000> : vector<320xf32>
    %reduce_max3A_133 = vector.multi_reduction <maximumf>, %div3A_131, %reduce_max3A_132 [1] : vector<320x320xf32> to vector<320xf32>
    %max3A_134 = arith.constant 0xFF800000 : f32
    %max3A_135 = vector.broadcast %max3A_134 : f32 to vector<320xf32>
    %max3A_136 = arith.maximumf %max3A_135, %reduce_max3A_133 : vector<320xf32>
    %broadcast_in_dim3A_137 = vector.shape_cast %max3A_136 : vector<320xf32> to vector<320x1xf32>
    %sub3A_138 = vector.broadcast %broadcast_in_dim3A_137 : vector<320x1xf32> to vector<320x320xf32>
    %sub3A_139 = arith.subf %div3A_131, %sub3A_138 : vector<320x320xf32>
    %exp3A_140 = math.exp %sub3A_139 : vector<320x320xf32>
    %reduce_sum3A_141 = arith.constant dense<0.000000e+00> : vector<320xf32>
    %reduce_sum3A_142 = vector.multi_reduction <add>, %exp3A_140, %reduce_sum3A_141 [1] : vector<320x320xf32> to vector<320xf32>
    %broadcast_in_dim3A_143 = vector.shape_cast %reduce_sum3A_142 : vector<320xf32> to vector<320x1xf32>
    %div3A_144 = vector.broadcast %broadcast_in_dim3A_143 : vector<320x1xf32> to vector<320x320xf32>
    %div3A_145 = arith.divf %exp3A_140, %div3A_144 : vector<320x320xf32>
    %convert_element_type3A_146 = arith.truncf %div3A_145 : vector<320x320xf32> to vector<320x320xbf16>
    %dot_general3A_147 = arith.constant dense<0.000000e+00> : vector<320x64xf32>
    %dot_general3A_148 = tpu.matmul %convert_element_type3A_146, %convert_element_type3A_126, %dot_general3A_147 {dimension_numbers = #tpu.dot_dimension_numbers<[1], [0], [0], [1], [0, 0, 1, 1], [], []>, transpose_lhs_hint = false} : vector<320x320xbf16>, vector<320x64xbf16>, vector<320x64xf32> -> vector<320x64xf32>
    %slice3A_149 = vector.extract_strided_slice %add3A_24 {offsets = [0, 256], sizes = [320, 64], strides = [1, 1]} : vector<320x512xf32> to vector<320x64xf32>
    %convert_element_type3A_150 = arith.truncf %slice3A_149 : vector<320x64xf32> to vector<320x64xbf16>
    %slice3A_151 = vector.extract_strided_slice %add3A_34 {offsets = [0, 256], sizes = [320, 64], strides = [1, 1]} : vector<320x512xf32> to vector<320x64xf32>
    %convert_element_type3A_152 = arith.truncf %slice3A_151 : vector<320x64xf32> to vector<320x64xbf16>
    %slice3A_153 = vector.extract_strided_slice %add3A_44 {offsets = [0, 256], sizes = [320, 64], strides = [1, 1]} : vector<320x512xf32> to vector<320x64xf32>
    %convert_element_type3A_154 = arith.truncf %slice3A_153 : vector<320x64xf32> to vector<320x64xbf16>
    %dot_general3A_155 = arith.constant dense<0.000000e+00> : vector<320x320xf32>
    %dot_general3A_156 = tpu.matmul %convert_element_type3A_150, %convert_element_type3A_152, %dot_general3A_155 {dimension_numbers = #tpu.dot_dimension_numbers<[1], [1], [0], [0], [0, 0, 1, 0], [], []>, transpose_lhs_hint = false} : vector<320x64xbf16>, vector<320x64xbf16>, vector<320x320xf32> -> vector<320x320xf32>
    %div3A_157 = arith.constant 8.000000e+00 : f32
    %div3A_158 = vector.broadcast %div3A_157 : f32 to vector<320x320xf32>
    %div3A_159 = arith.divf %dot_general3A_156, %div3A_158 : vector<320x320xf32>
    %reduce_max3A_160 = arith.constant dense<0xFF800000> : vector<320xf32>
    %reduce_max3A_161 = vector.multi_reduction <maximumf>, %div3A_159, %reduce_max3A_160 [1] : vector<320x320xf32> to vector<320xf32>
    %max3A_162 = arith.constant 0xFF800000 : f32
    %max3A_163 = vector.broadcast %max3A_162 : f32 to vector<320xf32>
    %max3A_164 = arith.maximumf %max3A_163, %reduce_max3A_161 : vector<320xf32>
    %broadcast_in_dim3A_165 = vector.shape_cast %max3A_164 : vector<320xf32> to vector<320x1xf32>
    %sub3A_166 = vector.broadcast %broadcast_in_dim3A_165 : vector<320x1xf32> to vector<320x320xf32>
    %sub3A_167 = arith.subf %div3A_159, %sub3A_166 : vector<320x320xf32>
    %exp3A_168 = math.exp %sub3A_167 : vector<320x320xf32>
    %reduce_sum3A_169 = arith.constant dense<0.000000e+00> : vector<320xf32>
    %reduce_sum3A_170 = vector.multi_reduction <add>, %exp3A_168, %reduce_sum3A_169 [1] : vector<320x320xf32> to vector<320xf32>
    %broadcast_in_dim3A_171 = vector.shape_cast %reduce_sum3A_170 : vector<320xf32> to vector<320x1xf32>
    %div3A_172 = vector.broadcast %broadcast_in_dim3A_171 : vector<320x1xf32> to vector<320x320xf32>
    %div3A_173 = arith.divf %exp3A_168, %div3A_172 : vector<320x320xf32>
    %convert_element_type3A_174 = arith.truncf %div3A_173 : vector<320x320xf32> to vector<320x320xbf16>
    %dot_general3A_175 = arith.constant dense<0.000000e+00> : vector<320x64xf32>
    %dot_general3A_176 = tpu.matmul %convert_element_type3A_174, %convert_element_type3A_154, %dot_general3A_175 {dimension_numbers = #tpu.dot_dimension_numbers<[1], [0], [0], [1], [0, 0, 1, 1], [], []>, transpose_lhs_hint = false} : vector<320x320xbf16>, vector<320x64xbf16>, vector<320x64xf32> -> vector<320x64xf32>
    %slice3A_177 = vector.extract_strided_slice %add3A_24 {offsets = [0, 320], sizes = [320, 64], strides = [1, 1]} : vector<320x512xf32> to vector<320x64xf32>
    %convert_element_type3A_178 = arith.truncf %slice3A_177 : vector<320x64xf32> to vector<320x64xbf16>
    %slice3A_179 = vector.extract_strided_slice %add3A_34 {offsets = [0, 320], sizes = [320, 64], strides = [1, 1]} : vector<320x512xf32> to vector<320x64xf32>
    %convert_element_type3A_180 = arith.truncf %slice3A_179 : vector<320x64xf32> to vector<320x64xbf16>
    %slice3A_181 = vector.extract_strided_slice %add3A_44 {offsets = [0, 320], sizes = [320, 64], strides = [1, 1]} : vector<320x512xf32> to vector<320x64xf32>
    %convert_element_type3A_182 = arith.truncf %slice3A_181 : vector<320x64xf32> to vector<320x64xbf16>
    %dot_general3A_183 = arith.constant dense<0.000000e+00> : vector<320x320xf32>
    %dot_general3A_184 = tpu.matmul %convert_element_type3A_178, %convert_element_type3A_180, %dot_general3A_183 {dimension_numbers = #tpu.dot_dimension_numbers<[1], [1], [0], [0], [0, 0, 1, 0], [], []>, transpose_lhs_hint = false} : vector<320x64xbf16>, vector<320x64xbf16>, vector<320x320xf32> -> vector<320x320xf32>
    %div3A_185 = arith.constant 8.000000e+00 : f32
    %div3A_186 = vector.broadcast %div3A_185 : f32 to vector<320x320xf32>
    %div3A_187 = arith.divf %dot_general3A_184, %div3A_186 : vector<320x320xf32>
    %reduce_max3A_188 = arith.constant dense<0xFF800000> : vector<320xf32>
    %reduce_max3A_189 = vector.multi_reduction <maximumf>, %div3A_187, %reduce_max3A_188 [1] : vector<320x320xf32> to vector<320xf32>
    %max3A_190 = arith.constant 0xFF800000 : f32
    %max3A_191 = vector.broadcast %max3A_190 : f32 to vector<320xf32>
    %max3A_192 = arith.maximumf %max3A_191, %reduce_max3A_189 : vector<320xf32>
    %broadcast_in_dim3A_193 = vector.shape_cast %max3A_192 : vector<320xf32> to vector<320x1xf32>
    %sub3A_194 = vector.broadcast %broadcast_in_dim3A_193 : vector<320x1xf32> to vector<320x320xf32>
    %sub3A_195 = arith.subf %div3A_187, %sub3A_194 : vector<320x320xf32>
    %exp3A_196 = math.exp %sub3A_195 : vector<320x320xf32>
    %reduce_sum3A_197 = arith.constant dense<0.000000e+00> : vector<320xf32>
    %reduce_sum3A_198 = vector.multi_reduction <add>, %exp3A_196, %reduce_sum3A_197 [1] : vector<320x320xf32> to vector<320xf32>
    %broadcast_in_dim3A_199 = vector.shape_cast %reduce_sum3A_198 : vector<320xf32> to vector<320x1xf32>
    %div3A_200 = vector.broadcast %broadcast_in_dim3A_199 : vector<320x1xf32> to vector<320x320xf32>
    %div3A_201 = arith.divf %exp3A_196, %div3A_200 : vector<320x320xf32>
    %convert_element_type3A_202 = arith.truncf %div3A_201 : vector<320x320xf32> to vector<320x320xbf16>
    %dot_general3A_203 = arith.constant dense<0.000000e+00> : vector<320x64xf32>
    %dot_general3A_204 = tpu.matmul %convert_element_type3A_202, %convert_element_type3A_182, %dot_general3A_203 {dimension_numbers = #tpu.dot_dimension_numbers<[1], [0], [0], [1], [0, 0, 1, 1], [], []>, transpose_lhs_hint = false} : vector<320x320xbf16>, vector<320x64xbf16>, vector<320x64xf32> -> vector<320x64xf32>
    %slice3A_205 = vector.extract_strided_slice %add3A_24 {offsets = [0, 384], sizes = [320, 64], strides = [1, 1]} : vector<320x512xf32> to vector<320x64xf32>
    %convert_element_type3A_206 = arith.truncf %slice3A_205 : vector<320x64xf32> to vector<320x64xbf16>
    %slice3A_207 = vector.extract_strided_slice %add3A_34 {offsets = [0, 384], sizes = [320, 64], strides = [1, 1]} : vector<320x512xf32> to vector<320x64xf32>
    %convert_element_type3A_208 = arith.truncf %slice3A_207 : vector<320x64xf32> to vector<320x64xbf16>
    %slice3A_209 = vector.extract_strided_slice %add3A_44 {offsets = [0, 384], sizes = [320, 64], strides = [1, 1]} : vector<320x512xf32> to vector<320x64xf32>
    %convert_element_type3A_210 = arith.truncf %slice3A_209 : vector<320x64xf32> to vector<320x64xbf16>
    %dot_general3A_211 = arith.constant dense<0.000000e+00> : vector<320x320xf32>
    %dot_general3A_212 = tpu.matmul %convert_element_type3A_206, %convert_element_type3A_208, %dot_general3A_211 {dimension_numbers = #tpu.dot_dimension_numbers<[1], [1], [0], [0], [0, 0, 1, 0], [], []>, transpose_lhs_hint = false} : vector<320x64xbf16>, vector<320x64xbf16>, vector<320x320xf32> -> vector<320x320xf32>
    %div3A_213 = arith.constant 8.000000e+00 : f32
    %div3A_214 = vector.broadcast %div3A_213 : f32 to vector<320x320xf32>
    %div3A_215 = arith.divf %dot_general3A_212, %div3A_214 : vector<320x320xf32>
    %reduce_max3A_216 = arith.constant dense<0xFF800000> : vector<320xf32>
    %reduce_max3A_217 = vector.multi_reduction <maximumf>, %div3A_215, %reduce_max3A_216 [1] : vector<320x320xf32> to vector<320xf32>
    %max3A_218 = arith.constant 0xFF800000 : f32
    %max3A_219 = vector.broadcast %max3A_218 : f32 to vector<320xf32>
    %max3A_220 = arith.maximumf %max3A_219, %reduce_max3A_217 : vector<320xf32>
    %broadcast_in_dim3A_221 = vector.shape_cast %max3A_220 : vector<320xf32> to vector<320x1xf32>
    %sub3A_222 = vector.broadcast %broadcast_in_dim3A_221 : vector<320x1xf32> to vector<320x320xf32>
    %sub3A_223 = arith.subf %div3A_215, %sub3A_222 : vector<320x320xf32>
    %exp3A_224 = math.exp %sub3A_223 : vector<320x320xf32>
    %reduce_sum3A_225 = arith.constant dense<0.000000e+00> : vector<320xf32>
    %reduce_sum3A_226 = vector.multi_reduction <add>, %exp3A_224, %reduce_sum3A_225 [1] : vector<320x320xf32> to vector<320xf32>
    %broadcast_in_dim3A_227 = vector.shape_cast %reduce_sum3A_226 : vector<320xf32> to vector<320x1xf32>
    %div3A_228 = vector.broadcast %broadcast_in_dim3A_227 : vector<320x1xf32> to vector<320x320xf32>
    %div3A_229 = arith.divf %exp3A_224, %div3A_228 : vector<320x320xf32>
    %convert_element_type3A_230 = arith.truncf %div3A_229 : vector<320x320xf32> to vector<320x320xbf16>
    %dot_general3A_231 = arith.constant dense<0.000000e+00> : vector<320x64xf32>
    %dot_general3A_232 = tpu.matmul %convert_element_type3A_230, %convert_element_type3A_210, %dot_general3A_231 {dimension_numbers = #tpu.dot_dimension_numbers<[1], [0], [0], [1], [0, 0, 1, 1], [], []>, transpose_lhs_hint = false} : vector<320x320xbf16>, vector<320x64xbf16>, vector<320x64xf32> -> vector<320x64xf32>
    %slice3A_233 = vector.extract_strided_slice %add3A_24 {offsets = [0, 448], sizes = [320, 64], strides = [1, 1]} : vector<320x512xf32> to vector<320x64xf32>
    %convert_element_type3A_234 = arith.truncf %slice3A_233 : vector<320x64xf32> to vector<320x64xbf16>
    %slice3A_235 = vector.extract_strided_slice %add3A_34 {offsets = [0, 448], sizes = [320, 64], strides = [1, 1]} : vector<320x512xf32> to vector<320x64xf32>
    %convert_element_type3A_236 = arith.truncf %slice3A_235 : vector<320x64xf32> to vector<320x64xbf16>
    %slice3A_237 = vector.extract_strided_slice %add3A_44 {offsets = [0, 448], sizes = [320, 64], strides = [1, 1]} : vector<320x512xf32> to vector<320x64xf32>
    %convert_element_type3A_238 = arith.truncf %slice3A_237 : vector<320x64xf32> to vector<320x64xbf16>
    %dot_general3A_239 = arith.constant dense<0.000000e+00> : vector<320x320xf32>
    %dot_general3A_240 = tpu.matmul %convert_element_type3A_234, %convert_element_type3A_236, %dot_general3A_239 {dimension_numbers = #tpu.dot_dimension_numbers<[1], [1], [0], [0], [0, 0, 1, 0], [], []>, transpose_lhs_hint = false} : vector<320x64xbf16>, vector<320x64xbf16>, vector<320x320xf32> -> vector<320x320xf32>
    %div3A_241 = arith.constant 8.000000e+00 : f32
    %div3A_242 = vector.broadcast %div3A_241 : f32 to vector<320x320xf32>
    %div3A_243 = arith.divf %dot_general3A_240, %div3A_242 : vector<320x320xf32>
    %reduce_max3A_244 = arith.constant dense<0xFF800000> : vector<320xf32>
    %reduce_max3A_245 = vector.multi_reduction <maximumf>, %div3A_243, %reduce_max3A_244 [1] : vector<320x320xf32> to vector<320xf32>
    %max3A_246 = arith.constant 0xFF800000 : f32
    %max3A_247 = vector.broadcast %max3A_246 : f32 to vector<320xf32>
    %max3A_248 = arith.maximumf %max3A_247, %reduce_max3A_245 : vector<320xf32>
    %broadcast_in_dim3A_249 = vector.shape_cast %max3A_248 : vector<320xf32> to vector<320x1xf32>
    %sub3A_250 = vector.broadcast %broadcast_in_dim3A_249 : vector<320x1xf32> to vector<320x320xf32>
    %sub3A_251 = arith.subf %div3A_243, %sub3A_250 : vector<320x320xf32>
    %exp3A_252 = math.exp %sub3A_251 : vector<320x320xf32>
    %reduce_sum3A_253 = arith.constant dense<0.000000e+00> : vector<320xf32>
    %reduce_sum3A_254 = vector.multi_reduction <add>, %exp3A_252, %reduce_sum3A_253 [1] : vector<320x320xf32> to vector<320xf32>
    %broadcast_in_dim3A_255 = vector.shape_cast %reduce_sum3A_254 : vector<320xf32> to vector<320x1xf32>
    %div3A_256 = vector.broadcast %broadcast_in_dim3A_255 : vector<320x1xf32> to vector<320x320xf32>
    %div3A_257 = arith.divf %exp3A_252, %div3A_256 : vector<320x320xf32>
    %convert_element_type3A_258 = arith.truncf %div3A_257 : vector<320x320xf32> to vector<320x320xbf16>
    %dot_general3A_259 = arith.constant dense<0.000000e+00> : vector<320x64xf32>
    %dot_general3A_260 = tpu.matmul %convert_element_type3A_258, %convert_element_type3A_238, %dot_general3A_259 {dimension_numbers = #tpu.dot_dimension_numbers<[1], [0], [0], [1], [0, 0, 1, 1], [], []>, transpose_lhs_hint = false} : vector<320x320xbf16>, vector<320x64xbf16>, vector<320x64xf32> -> vector<320x64xf32>
    %concatenate3A_261 = tpu.concatenate %dot_general3A_64, %dot_general3A_92, %dot_general3A_120, %dot_general3A_148, %dot_general3A_176, %dot_general3A_204, %dot_general3A_232, %dot_general3A_260 in 1 : vector<320x64xf32>, vector<320x64xf32>, vector<320x64xf32>, vector<320x64xf32>, vector<320x64xf32>, vector<320x64xf32>, vector<320x64xf32>, vector<320x64xf32> -> vector<320x512xf32>
    %convert_element_type3A_262 = arith.truncf %concatenate3A_261 : vector<320x512xf32> to vector<320x512xbf16>
    %get3A_263 = arith.constant 0 : index
    %get3A_264 = arith.constant 0 : index
    %get3A_265 = vector.load %arg9[%get3A_263, %get3A_264] : memref<512x512xbf16, #tpu.memory_space<vmem>>, vector<512x512xbf16>
    %dot_general3A_266 = arith.constant dense<0.000000e+00> : vector<320x512xf32>
    %dot_general3A_267 = tpu.matmul %convert_element_type3A_262, %get3A_265, %dot_general3A_266 {dimension_numbers = #tpu.dot_dimension_numbers<[1], [1], [0], [0], [0, 0, 1, 0], [], []>, transpose_lhs_hint = false} : vector<320x512xbf16>, vector<512x512xbf16>, vector<320x512xf32> -> vector<320x512xf32>
    %get3A_268 = arith.constant 0 : index
    %get3A_269 = arith.constant 0 : index
    %get3A_270 = vector.load %arg10[%get3A_268, %get3A_269] : memref<1x512xf32, #tpu.memory_space<vmem>>, vector<1x512xf32>
    %add3A_271 = vector.broadcast %get3A_270 : vector<1x512xf32> to vector<320x512xf32>
    %add3A_272 = arith.addf %dot_general3A_267, %add3A_271 : vector<320x512xf32>
    %swap3A = arith.constant 0 : index
    %swap3A_273 = arith.constant 0 : index
    %swap3A_274 = arith.constant 0 : index
    %swap3A_275 = vector.load %arg11[%swap3A, %swap3A_273, %swap3A_274] : memref<1x320x512xf32, #tpu.memory_space<vmem>>, vector<1x320x512xf32>
    %swap3A_276 = vector.shape_cast %swap3A_275 : vector<1x320x512xf32> to vector<320x512xf32>
    %swap3A_277 = vector.shape_cast %add3A_272 : vector<320x512xf32> to vector<1x320x512xf32>
    tpu.vector_store %arg11[%swap3A, %swap3A_273, %swap3A_274], %swap3A_277 {strides = array<i32>} : memref<1x320x512xf32, #tpu.memory_space<vmem>>, vector<1x320x512xf32>,
    return
  }
  func.func @transform_0(%arg0: i32) -> (i32, i32, i32) {
    %c0_i32 = arith.constant 0 : i32
    %c0_i32_0 = arith.constant 0 : i32
    %c0_i32_1 = arith.constant 0 : i32
    return %arg0, %c0_i32, %c0_i32_0 : i32, i32, i32
  }
  func.func @transform_1(%arg0: i32) -> (i32, i32, i32) {
    %c0_i32 = arith.constant 0 : i32
    %c0_i32_0 = arith.constant 0 : i32
    %c0_i32_1 = arith.constant 0 : i32
    return %arg0, %c0_i32, %c0_i32_0 : i32, i32, i32
  }
  func.func @transform_2(%arg0: i32) -> (i32, i32) {
    %c0_i32 = arith.constant 0 : i32
    %c0_i32_0 = arith.constant 0 : i32
    %c0_i32_1 = arith.constant 0 : i32
    return %c0_i32, %c0_i32_0 : i32, i32
  }
  func.func @transform_3(%arg0: i32) -> (i32, i32) {
    %c0_i32 = arith.constant 0 : i32
    %c0_i32_0 = arith.constant 0 : i32
    %c0_i32_1 = arith.constant 0 : i32
    return %c0_i32, %c0_i32_0 : i32, i32
  }
  func.func @transform_4(%arg0: i32) -> (i32, i32) {
    %c0_i32 = arith.constant 0 : i32
    %c0_i32_0 = arith.constant 0 : i32
    %c0_i32_1 = arith.constant 0 : i32
    return %c0_i32, %c0_i32_0 : i32, i32
  }
  func.func @transform_5(%arg0: i32) -> (i32, i32) {
    %c0_i32 = arith.constant 0 : i32
    %c0_i32_0 = arith.constant 0 : i32
    %c0_i32_1 = arith.constant 0 : i32
    return %c0_i32, %c0_i32_0 : i32, i32
  }
  func.func @transform_6(%arg0: i32) -> (i32, i32) {
    %c0_i32 = arith.constant 0 : i32
    %c0_i32_0 = arith.constant 0 : i32
    %c0_i32_1 = arith.constant 0 : i32
    return %c0_i32, %c0_i32_0 : i32, i32
  }
  func.func @transform_7(%arg0: i32) -> (i32, i32) {
    %c0_i32 = arith.constant 0 : i32
    %c0_i32_0 = arith.constant 0 : i32
    %c0_i32_1 = arith.constant 0 : i32
    return %c0_i32, %c0_i32_0 : i32, i32
  }
  func.func @transform_8(%arg0: i32) -> (i32, i32) {
    %c0_i32 = arith.constant 0 : i32
    %c0_i32_0 = arith.constant 0 : i32
    %c0_i32_1 = arith.constant 0 : i32
    return %c0_i32, %c0_i32_0 : i32, i32
  }
  func.func @transform_9(%arg0: i32) -> (i32, i32) {
    %c0_i32 = arith.constant 0 : i32
    %c0_i32_0 = arith.constant 0 : i32
    %c0_i32_1 = arith.constant 0 : i32
    return %c0_i32, %c0_i32_0 : i32, i32
  }
  func.func @transform_10(%arg0: i32) -> (i32, i32, i32) {
    %c0_i32 = arith.constant 0 : i32
    %c0_i32_0 = arith.constant 0 : i32
    %c0_i32_1 = arith.constant 0 : i32
    return %arg0, %c0_i32, %c0_i32_0 : i32, i32, i32
  }
}

</mosaic_0001>

<sc_bundles>
// kernel: kernel.5.cloned.1.call-start
scs
__scs_entry_jumppad:
0x0: {  	(pc) =	sbr.rel $0x88, $3  }
0x1: {  	(tag) =	ssettag $0x0;
	lr =	simm.s32 $0x1  }
0x2: {  	[smem:$0x3F90] =	sst lr;
	_ =	strace $0xD0000000  }
0x3: {  	_ = 	snop  }
0x4: {  	_ = 	snop  }
0x5: {  	_ = 	snop  }
0x6: {  	_ = 	snop  }
0x7: {  	_ = 	snop  }
__scs_overlays_trampoline_lowered:
0x8: {  	[smem:$0x3F9F] =	sst s0  }
0x9: {  	[smem:$0x3FA0] =	sst s1  }
0xa: {  	[smem:$0x3FA1] =	sst s2  }
0xb: {  	[smem:$0x3FA2] =	sst s3  }
0xc: {  	[smem:$0x3FA3] =	sst s4  }
0xd: {  	[smem:$0x3FA4] =	sst s5  }
0xe: {  	[smem:$0x3FA5] =	sst s6  }
0xf: {  	[smem:$0x3FA6] =	sst s7  }
0x10: {  	[smem:$0x3FA7] =	sst s8  }
0x11: {  	[smem:$0x3FA8] =	sst s9;
	s0 =	simm.s32 @!p0 $0x0  }
0x12: {  	s1 =	sld [smem:$0x3F8E];
	s0 =	simm.s32 @p0 $0x1  }
0x13: {  	[smem:$0x3FA9] =	sst s0;
	s0 =	simm.s32 @!p1 $0x0  }
0x14: {  	s2 =	sld [smem:$0x3F8D];
	s0 =	simm.s32 @p1 $0x1  }
0x15: {  	[smem:$0x3FAA] =	sst s0;
	s0 =	simm.s32 @!p2 $0x0  }
0x16: {  	s3 =	sld [smem:$0x3FDB];
	s0 =	simm.s32 @p2 $0x1  }
0x17: {  	s4 =	simm.s32 $0x1BF5;
	[smem:$0x3FAC] =	sst s0  }
0x18: {  	s0 =	sld [smem:$0x3F8F];
	_ =	swait.ge [sflag:s4], $0x0  }
0x19: {  	s7 =	sld [smem:$0x3F90]  }
0x1a: {  	s8 =	sadd.s32 $0xFFFFE003, lr  }
0x1b: {  	s9 =	sadd.s32 $0xFFFFFEF7, lr;
	s5 =	simm.s32 $0xFFFFFFFF;
	p2 =	slt.u32 s8, $0xFFFFF086  }
0x1c: {  	p1 =	slt.u32 s9, $0xF7A;
	s5 =	simm.s32 @!p2 $0x0  }
0x1d: {  	s5 =	simm.s32 @p1 $0x1;
	p0 =	seq.s32 s7, s2  }
0x1e: {  	s7 =	smul.u32 @!p0 $0xF7A, s2;
	p2 =	seq.s32 @!p0 s5, $0x0  }
0x1f: {  	s9 =	smul.u32 $0xF7A, s1;
	s8 =	simm.s32 @!p0 $0x1BF5;
	p2 =	por !p2, p0  }
0x20: {  	[sflag:s8] =	ssyncset.s32 @!p0 $0xFFFFF086;
	s6 =	sadd.s32 @!p0 s3, s7;
	s7 =	simm.s32 @!p0 $0x108  }
0x21: {  	s3 =	sadd.s32 s3, s9;
	s6 =	sadd.s32 @!p0 $0x88, s6;
	s7 =	simm.s32 @p2 $0x1082  }
0x22: {  	[simem:s7], [sflag:s8] =	dma.local @!p0 [hbm:s6], $0xF7A  }
0x23: {  	s9 =	sor.u32 $0xD0000000, s2;
	s6 =	simm.s32 $0x108;
	_ =	swait.ge @!p0 [sflag:s8], $0x0  }
0x24: {  	s3 =	sadd.s32 $0x88, s3;
	s6 =	simm.s32 @!p1 $0x1082;
	[sflag:s4] =	ssyncset.s32 $0xFFFFF086  }
0x25: {  	[simem:s6], [sflag:s4] =	dma.local [hbm:s3], $0xF7A  }
0x26: {  	[smem:$0x3F90] =	sst s1;
	(tag) =	ssettag s2;
	_ =	strace s9  }
0x27: {  	s1 =	sld [smem:$0x3FA0]  }
0x28: {  	s2 =	sld [smem:$0x3FA1]  }
0x29: {  	s4 =	sld [smem:$0x3FA3]  }
0x2a: {  	p0 =	seq.s32 s5, $0x0;
	s5 =	sld [smem:$0x3FA4]  }
0x2b: {  	s6 =	sld [smem:$0x3FA5]  }
0x2c: {  	s7 =	sld [smem:$0x3FA6]  }
0x2d: {  	s3 =	simm.s32 $0x108;
	s8 =	sld [smem:$0x3FA7]  }
0x2e: {  	s3 =	simm.s32 @!p0 $0x1082;
	s9 =	sld [smem:$0x3FA8]  }
0x2f: {  	lr =	sadd.s32 s0, s3;
	s0 =	sld [smem:$0x3F9F]  }
0x30: {  	s3 =	sld [smem:$0x3FA2]  }
0x31: {  	[smem:$0x3FAB] =	sst s10  }
0x32: {  	s10 =	sld [smem:$0x3FA9];
	_ =	sdelay $0x3  }
0x33: {  	p0 =	seq.s32 s10, $0x1;
	s10 =	sld [smem:$0x3FAB];
	_ =	sdelay $0x3  }
0x34: {  	[smem:$0x3FAB] =	sst s10  }
0x35: {  	s10 =	sld [smem:$0x3FAA];
	_ =	sdelay $0x3  }
0x36: {  	p1 =	seq.s32 s10, $0x1;
	s10 =	sld [smem:$0x3FAB];
	_ =	sdelay $0x3  }
0x37: {  	[smem:$0x3FAB] =	sst s10  }
0x38: {  	s10 =	sld [smem:$0x3FAC]  }
0x39: {  	_ = 	snop;
	(pc) =	sbr.ind lr, $3  }
0x3a: {  	_ = 	snop  }
0x3b: {  	_ = 	snop  }
0x3c: {  	p2 =	seq.s32 s10, $0x1;
	s10 =	sld [smem:$0x3FAB]  }
0x3d: {  	_ =	shalt  }
0x3e: {  	_ =	shalt  }
0x3f: {  	_ =	shalt  }
0x40: {  	_ =	shalt  }
0x41: {  	_ =	shalt  }
0x42: {  	_ =	shalt  }
0x43: {  	_ =	shalt  }
0x44: {  	_ =	shalt  }
0x45: {  	_ =	shalt  }
0x46: {  	_ =	shalt  }
0x47: {  	_ =	shalt  }
0x48: {  	_ =	shalt  }
0x49: {  	_ =	shalt  }
0x4a: {  	_ =	shalt  }
0x4b: {  	_ =	shalt  }
0x4c: {  	_ =	shalt  }
0x4d: {  	_ =	shalt  }
0x4e: {  	_ =	shalt  }
0x4f: {  	_ =	shalt  }
0x50: {  	_ =	shalt  }
0x51: {  	_ =	shalt  }
0x52: {  	_ =	shalt  }
0x53: {  	_ =	shalt  }
0x54: {  	_ =	shalt  }
0x55: {  	_ =	shalt  }
0x56: {  	_ =	shalt  }
0x57: {  	_ =	shalt  }
0x58: {  	_ =	shalt  }
0x59: {  	_ =	shalt  }
0x5a: {  	_ =	shalt  }
0x5b: {  	_ =	shalt  }
0x5c: {  	_ =	shalt  }
0x5d: {  	_ =	shalt  }
0x5e: {  	_ =	shalt  }
0x5f: {  	_ =	shalt  }
0x60: {  	_ =	shalt  }
0x61: {  	_ =	shalt  }
0x62: {  	_ =	shalt  }
0x63: {  	_ =	shalt  }
0x64: {  	_ =	shalt  }
0x65: {  	_ =	shalt  }
0x66: {  	_ =	shalt  }
0x67: {  	_ =	shalt  }
0x68: {  	_ =	shalt  }
0x69: {  	_ =	shalt  }
0x6a: {  	_ =	shalt  }
0x6b: {  	_ =	shalt  }
0x6c: {  	_ =	shalt  }
0x6d: {  	_ =	shalt  }
0x6e: {  	_ =	shalt  }
0x6f: {  	_ =	shalt  }
0x70: {  	_ =	shalt  }
0x71: {  	_ =	shalt  }
0x72: {  	_ =	shalt  }
0x73: {  	_ =	shalt  }
0x74: {  	_ =	shalt  }
0x75: {  	_ =	shalt  }
0x76: {  	_ =	shalt  }
0x77: {  	_ =	shalt  }
0x78: {  	_ =	shalt  }
0x79: {  	_ =	shalt  }
0x7a: {  	_ =	shalt  }
0x7b: {  	_ =	shalt  }
0x7c: {  	_ =	shalt  }
0x7d: {  	_ =	shalt  }
0x7e: {  	_ =	shalt  }
0x7f: {  	_ =	shalt  }
0x80: {  	_ =	shalt  }
0x81: {  	_ =	shalt  }
0x82: {  	_ =	shalt  }
0x83: {  	_ =	shalt  }
0x84: {  	_ =	shalt  }
0x85: {  	_ =	shalt  }
0x86: {  	_ =	shalt  }
0x87: {  	_ =	shalt  }
.Lfunc_end0:
.L_simem_size_0:
called_computation_lowered:
.L_overlay_start_0:
0x88: {  	s2 =	sld [smem:$0x3FD9]  }
0x89: {  	s3 =	sld [smem:$0x3FFE];
	_ =	sdelay $0x1  }
0x8a: {  	s1 =	srdreg.scid  }
0x8b: {  	s0 =	sand.u32 $0x1, s1  }
0x8c: {  	s14 =	sshll.u32 s0, $0xA;
	s2 =	sadd.s32 s3, s2  }
0x8d: {  	s2 =	sadd.s32 s2, s14  }
0x8e: {  	[smem:$0x3FB7] =	sst s2  }
0x8f: {  	_ = 	snop  }
0x90: {  	s2 =	sld [smem:$0x3FD0];
	_ =	sdelay $0x2  }
0x91: {  	s15 =	simm.s32 $0xA;
	s4 =	simm.s32 $0x10  }
0x92: {  	[smem:s4], [sflag:s15] =	dma.local [hbm:s2], $0x1  }
0x93: {  	_ =	swait.eq [sflag:s15], $0x1  }
0x94: {  	[sflag:s15] =	ssyncset.done $0x0  }
0x95: {  	[sflag:s15] =	ssyncadd.s32 $0xFFFFFFFF  }
0x96: {  	s16 =	sld [smem:$0x10];
	(tm) =	ssettm $0x1  }
0x97: {  	s17 =	sld [smem:$0x3FFB];
	_ =	sdelay $0x3  }
0x98: {  	_ =	strace s17  }
0x99: {  	s3 =	sld [smem:$0x3FFC];
	_ =	sdelay $0x3  }
0x9a: {  	_ =	strace s3  }
0x9b: {  	s3 =	sld [smem:$0x3FFD];
	_ =	sdelay $0x3  }
0x9c: {  	_ =	strace s3  }
0x9d: {  	_ =	strace $0x8FFFFFFF  }
0x9e: {  	s18 =	sld [smem:$0x3FDB];
	_ =	sdelay $0x1  }
0x9f: {  	s19 =	simm.s32 $_scs_section_size  }
0xa0: {  	s5 =	simm.s32 $_size__tile_overlayer_lowered;
	s6 =	simm.s32 $_tile_overlayer_lowered  }
0xa1: {  	s22 =	simm.s32 $0x1BFF;
	s21 =	sshll.u32 s6, $0x1;
	s3 =	sadd.s32 s19, s18  }
0xa2: {  	s7 =	simm.s32 $0x0;
	s20 =	sshll.u32 s5, $0x1;
	s5 =	sadd.s32 s21, s3  }
0xa3: {  	[timem:s7], [sflag:s22] =	dma.local [hbm:s5], s20  }
0xa4: {  	_ =	swait.ge [sflag:s22], s20  }
0xa5: {  	s4 =	ssub.s32 $0x0, s20;
	[sflag:s22] =	ssyncset.done $0x0  }
0xa6: {  	[sflag:s22] =	ssyncadd.s32 s4;
	_ =	sdelay $0x1  }
0xa7: {  	s23 =	simm.s32 $0x1B8B  }
0xa8: {  	_ =	swait.ge [sflag:s23], $0x1  }
0xa9: {  	[sflag:s23] =	ssyncset.done $0x0  }
0xaa: {  	s25 =	simm.s32 $0x1B8E;
	s24 =	sld [smem:$0x3FFE];
	[sflag:s23] =	ssyncadd.s32 $0xFFFFFFFF  }
0xab: {  	s26 =	simm.s32 $execute0_lowered;
	[smem:$0x3FD2] =	sst s25  }
0xac: {  	s5 =	sshll.u32 s26, $0x1;
	_ =	strace $0x80000046;
	[dreg:$0x1] =	wrdreg $0xFFFFFFFF  }
0xad: {  	s28 =	simm.s32 $_size_execute0_lowered;
	s3 =	sadd.s32 s3, s5;
	[dreg:$0x0] =	wrdreg $0x0  }
0xae: {  	s5 =	sshll.u32 s28, $0x1;
	[dreg:$0x2] =	wrdreg s3  }
0xaf: {  	[dreg:$0x3] =	wrdreg s5  }
0xb0: {  	[dreg:$0x4] =	wrdreg $0xC0  }
0xb1: {  	_ =	task [dreg:s7], $0x5FFFF  }
0xb2: {  	[dreg:$0x1] =	wrdreg $0xFFFFFFFF  }
0xb3: {  	[dreg:$0x0] =	wrdreg $0x60  }
0xb4: {  	[dreg:$0x2] =	wrdreg s24  }
0xb5: {  	[dreg:$0x3] =	wrdreg s16  }
0xb6: {  	[dreg:$0x4] =	wrdreg $0x9  }
0xb7: {  	_ =	task.clear_ibuf [dreg:s7], $0x5FFFF;
	_ =	strace $0x90000046  }
0xb8: {  	s29 =	simm.s32 $0x9;
	_ =	strace $0x80000048  }
0xb9: {  	_ =	swait.ge [sflag:s29], $0x1  }
0xba: {  	[sflag:s29] =	ssyncadd.s32 $0xFFFFFFFF  }
0xbb: {  	_ =	strace $0x90000048  }
0xbc: {  	_ =	sfence  }
0xbd: {  	s30 =	sld [smem:$0x0];
	_ =	sdelay $0x2  }
0xbe: {  	s31 =	sshll.u32 s1, $0xD;
	s1 =	sshrl.u32 s1, $0x2  }
0xbf: {  	s3 =	sand.u32 $0x4000, s31;
	s1 =	sadd.s32 s1, s30  }
0xc0: {  	s0 =	sor.u32 s3, s0;
	s1 =	sshll.u32 s1, $0x11  }
0xc1: {  	s0 =	sor.u32 s1, s0  }
0xc2: {  	s0 =	sadd.s32 $0x8F2B, s0  }
0xc3: {  	[sflag:s0] =	ssyncadd.remote.s32 $0x1  }
0xc4: {  	_ =	sfence.sel $0xFFFF  }
0xc5: {  	[dreg:$0x0] =	wrdreg $0xFFFFFFFF;
	(pc) =	sbr.abs _section_cstart, $3  }
0xc6: {  	[dreg:$0x1] =	wrdreg $0xFFFFFFFF  }
0xc7: {  	_ =	task.clear_ibuf [dreg:s7], $0x2FFFF;
	_ =	strace $0x9FFFFFFF  }
0xc8: {  	(tm) =	ssettm $0x7FFFFFFF  }
0xc9: {  	_ =	shalt  }
tec
execute0_lowered:
.L_overlay_start_1:
0x0: {  	(tag) =	ssettag $0x1  }
0x1: {  	s4 =	rddreg [dreg:$0x0]  }
0x2: {  	s5 =	rddreg [dreg:$0x1]  }
0x3: {  	s0 =	rddreg [dreg:$0x2];
	s3 =	srdreg.scid  }
0x4: {  	s2 =	simm.s32 $0x0;
	s1 =	stileid.u32;
	s10 =	simm.s32 $0x1080  }
0x5: {  	s11 =	simm.s32 $0x1880;
	s12 =	simm.s32 $0x1;
	s3 =	sand.u32 $0x1, s3  }
0x6: {  	[smem:$0x7FF] =	sst s2;
	s6 =	sshll.u32 s1, $0x6;
	s7 =	sshll.u32 s3, $0x5  }
0x7: {  	_ =	strace $0x80000047;
	s31 =	ssub.s32 $0x2, s3;
	s6 =	sor.u32 s7, s6  }
0x8: {  	s3 =	sadd.s32 $0x2A00, s4;
	s9 =	sshrl.u32 s31, $0x1;
	s8 =	sshrl.u32 s6, $0x3  }
0x9: {  	v2 =	vlaneseq.u32;
	s7 =	ssub.s32 s31, s9;
	s6 =	sshll.u32 s6, $0x5;
	s9 =	simm.s32 $0x880  }
0xa: {  	vm0 =	vmmov $0xffff;
	v1 =	vshrl.u32 v2, $0x3;
	s4 =	sadd.s32 s8, s4;
	s5 =	sadd.s32 s5, s6;
	s6 =	smax.u32 s7, $0x1  }
0xb: {  	v0 =	vand.u32 $0x7, v2;
	v2 =	vor.u32 $0x8, v2;
	v1 =	vmul.u32 $0x8, v1;
	s7 =	simm.s32 $0x2;
	s8 =	simm.s32 $0x80;
	s4 =	sadd.s32 $0x82A00, s4  }
.LBB2_1:
0xc: {  	[tilespmem:s2], [sflag:$0x2] =	stream.linear.gather [hbm4b:s4+s2], $0x20, $0x38;
	[tilespmem:$0x2080] =	vst v63  }
0xd: {  	_ =	swait.ge [sflag:s7], $0x20  }
0xe: {  	[sflag:s7] =	ssyncset.done $0x0  }
0xf: {  	[sflag:s7] =	ssyncadd.s32 $0xFFFFFFE0  }
0x10: {  	v3 =	vld [tilespmem:$0x0];
	_ =	sdelay $0x4  }
0x11: {  	v4 =	vshll.u32 v3, $0x1  }
0x12: {  	v3 =	vand.u32 $0x7, v3;
	v4 =	vand.u32 $0xFFFFFFF0, v4  }
0x13: {  	v3 =	vor.u32 v3, v4  }
0x14: {  	v4 =	vperm.xlane v3, v0;
	_ =	sdelay $0x1  }
0x15: {  	v3 =	vperm.xlane v3, v2;
	v4 =	vadd.s32 v1, v4;
	_ =	sdelay $0x1  }
0x16: {  	v3 =	vadd.s32 v1, v3;
	_ =	sdelay $0x2  }
0x17: {  	[tilespmem:s8], [sflag:$0x1] =	stream.indirect_vreg.gather [hbm4b:s3+s2], $0x80, v4, vm0, $0xb8;
	[tilespmem:$0x2080] =	vst v63  }
0x18: {  	_ = 	snop  }
0x19: {  	[tilespmem:s9], [sflag:$0x1] =	stream.indirect_vreg.gather [hbm4b:s3+s2], $0x80, v3, vm0, $0xb8;
	[tilespmem:$0x2080] =	vst v63  }
0x1a: {  	v3 =	vld [tilespmem:$0x10];
	_ =	sdelay $0x4  }
0x1b: {  	v63 =	vshll.u32 v3, $0x1  }
0x1c: {  	v3 =	vand.u32 $0x7, v3;
	v4 =	vand.u32 $0xFFFFFFF0, v63  }
0x1d: {  	v3 =	vor.u32 v3, v4  }
0x1e: {  	v4 =	vperm.xlane v3, v0;
	_ =	sdelay $0x1  }
0x1f: {  	v3 =	vperm.xlane v3, v2;
	v4 =	vadd.s32 v1, v4;
	_ =	sdelay $0x1  }
0x20: {  	v3 =	vadd.s32 v1, v3;
	_ =	sdelay $0x2  }
0x21: {  	[tilespmem:s10], [sflag:$0x1] =	stream.indirect_vreg.gather [hbm4b:s3+s2], $0x80, v4, vm0, $0xb8;
	[tilespmem:$0x2080] =	vst v63  }
0x22: {  	_ = 	snop  }
0x23: {  	[tilespmem:s11], [sflag:$0x1] =	stream.indirect_vreg.gather [hbm4b:s3+s2], $0x80, v3, vm0, $0xb8;
	[tilespmem:$0x2080] =	vst v63  }
0x24: {  	_ =	swait.ge [sflag:s12], $0x2000  }
0x25: {  	p0 =	sne.s32 s6, $0x1;
	[sflag:s12] =	ssyncset.done $0x0  }
.Ltmp0:
0x26: {  	[sflag:s12] =	ssyncadd.s32 $0xFFFFE000;
	(pc) =	sbr.rel @p0 .LBB2_1-.Ltmp0, $4  }
0x27: {  	[hbm4b:s5+s2] =	stream.linear.scatter [tilespmem:s8], [sflag:$0x2], $0x2000, $0x38;
	[tilespmem:$0x2080] =	vst v63  }
0x28: {  	_ =	swait.ge [sflag:s7], $0x2000  }
0x29: {  	[sflag:s7] =	ssyncset.done $0x0  }
0x2a: {  	s6 =	sadd.s32 $0xFFFFFFFF, s6;
	[sflag:s7] =	ssyncadd.s32 $0xFFFFE000  }
0x2b: {  	_ =	sfence.sel $0x180000  }
0x2c: {  	[bflag:$0x0] =	sbarrier.arrive $0xFFFF  }
0x2d: {  	p0 =	sne.s32 s1, $0x0;
	_ =	strace $0x90000047  }
0x2e: {  	s0 =	sadd.s32 @!p0 $0x100000, s0;
	[bflag:$0x2] =	sbarrier.arrive $0xFFFF  }
0x2f: {  	[sflag:s0] =	ssyncadd.tile.s32 @!p0 $0x1;
	_ =	shalt  }
.Lfunc_end2:
_tile_overlayer_lowered:
.L_overlay_start_2:
0x30: {  	(tag) =	ssettag $0x2  }
0x31: {  	s0 =	rddreg [dreg:$0x0];
	s2 =	stileid.u32  }
0x32: {  	s1 =	rddreg [dreg:$0x1];
	p0 =	sne.s32 s2, $0x0  }
0x33: {  	s3 =	rddreg [dreg:$0x2];
	[bflag:$0x3] =	sbarrier.arrive $0xFFFF;
	s2 =	simm.s32 @!p0 $0x1C02  }
0x34: {  	[timem:s3], [sflag:s2] =	dma.local @!p0 [hbm:s0], s1  }
0x35: {  	s0 =	simm.s32 @!p0 $0x2  }
0x36: {  	_ =	swait.ge @!p0 [sflag:s0], s1  }
0x37: {  	s1 =	ssub.s32 @!p0 $0x0, s1;
	[sflag:s0] =	ssyncset.done @!p0 $0x0  }
0x38: {  	[sflag:s0] =	ssyncadd.s32 @!p0 s1  }
0x39: {  	[bflag:$0x3] =	sbarrier.arrive $0xFFFF  }
0x3a: {  	_ =	shalt  }

</sc_bundles>
